<compile_context>
chip_gen: v7x
topology: tpu7x:2x2x1
jax: 0.10.2.dev20260603
libtpu: 0.0.44.dev20260713+nightly
codegen_flags: <defaults>
</compile_context>

<pallas_src>
import functools

import jax
import jax.numpy as jnp
from jax import lax
from jax.experimental import pallas as pl
from jax.experimental.pallas import tpu as pltpu
from jax.experimental.pallas import tpu_sc as plsc

N_ATOMS = 1048576
N_TYPES = 119
N_PROPS = 64
N_SYSTEMS = 16384

TPAD = 119
NBINS = TPAD * N_SYSTEMS
NC = 2
NS = 16
NW = NC * NS
A_PER_W = N_ATOMS // NW
CHUNK = 1024
NBUF = 7
NCH = A_PER_W // CHUNK
ACC_PER_TILE = NBINS // NS


def _sc_histogram(keys, zeros_h, ones_h):
    mesh = plsc.VectorSubcoreMesh(
        core_axis_name="c", subcore_axis_name="s", num_cores=NC, num_subcores=NS
    )

    @functools.partial(
        pl.kernel,
        mesh=mesh,
        out_type=(
            jax.ShapeDtypeStruct((TPAD, N_SYSTEMS), jnp.float32),
            jax.ShapeDtypeStruct((TPAD, N_SYSTEMS), jnp.float32),
        ),
        scratch_types=[
            [pltpu.VMEM((CHUNK,), jnp.int32) for _ in range(NBUF)],
            pltpu.VMEM((CHUNK,), jnp.float32),
            pltpu.VMEM_SHARED((NBINS,), jnp.float32),
            pltpu.SemaphoreType.DMA,
            [pltpu.SemaphoreType.DMA for _ in range(NBUF)],
            [pltpu.SemaphoreType.DMA for _ in range(NBUF)],
        ],
    )
    def hist(keys_hbm, zeros_hbm, ones_hbm, out0, out1,
             kbufs, ones_v, acc, sem_z, sem_l, sem_s):
        c = lax.axis_index("c")
        s = lax.axis_index("s")
        w = c * NS + s

        zd = pltpu.async_copy(
            zeros_hbm, acc.at[pl.ds(s * ACC_PER_TILE, ACC_PER_TILE)], sem_z)
        pltpu.sync_copy(ones_hbm, ones_v)

        def start_load(k):
            b = k % NBUF
            base = w * A_PER_W + k * CHUNK
            return pltpu.async_copy(keys_hbm.at[pl.ds(base, CHUNK)],
                                    kbufs[b], sem_l[b])

        loads = [start_load(k) for k in range(NBUF - 1)] + [None] * (
            NCH - (NBUF - 1))
        zd.wait()
        plsc.subcore_barrier()

        scatters = [None] * NBUF
        for k in range(NCH):
            b = k % NBUF
            loads[k].wait()
            scatters[b] = pltpu.async_copy(
                ones_v, acc.at[kbufs[b]], sem_s[b], add=True)
            nxt = k + NBUF - 1
            if nxt < NCH:
                nb = nxt % NBUF
                if scatters[nb] is not None:
                    scatters[nb].wait()
                    scatters[nb] = None
                loads[nxt] = start_load(nxt)

        for d in scatters:
            if d is not None:
                d.wait()
        plsc.subcore_barrier()

        for i in range(8):
            r = i * NS + s

            @pl.when(r < TPAD)
            def _(r=r):
                row = acc.at[pl.ds(r * N_SYSTEMS, N_SYSTEMS)]

                @pl.when(c == 0)
                def _():
                    pltpu.sync_copy(row, out0.at[r])

                @pl.when(c == 1)
                def _():
                    pltpu.sync_copy(row, out1.at[r])

    return hist(keys, zeros_h, ones_h)


_BN = 8192
_NB = N_SYSTEMS // _BN


def _fused_body(c0_hbm, c1_hbm, w_ref, o_ref, lhs0, lhs1, sems):
    def start(j, b):
        sl = pl.ds(j * _BN, _BN)
        d0 = pltpu.make_async_copy(c0_hbm.at[:, sl], lhs0.at[b], sems.at[b, 0])
        d1 = pltpu.make_async_copy(c1_hbm.at[:, sl], lhs1.at[b], sems.at[b, 1])
        d0.start()
        d1.start()
        return d0, d1

    pend = start(0, 0)
    for j in range(_NB):
        b = j % 2
        pend[0].wait()
        pend[1].wait()
        if j + 1 < _NB:
            pend = start(j + 1, 1 - b)
        cnt = lhs0[b] + lhs1[b]
        o_ref[:, pl.ds(j * _BN, _BN)] = lax.dot_general(
            w_ref[...], cnt, (((0,), (0,)), ((), ())),
            preferred_element_type=jnp.float32,
        )


def _tc_matmul(c0, c1, w):
    return pl.pallas_call(
        _fused_body,
        in_specs=[
            pl.BlockSpec(memory_space=pltpu.HBM),
            pl.BlockSpec(memory_space=pltpu.HBM),
            pl.BlockSpec(memory_space=pltpu.VMEM),
        ],
        out_specs=pl.BlockSpec(memory_space=pltpu.VMEM),
        out_shape=jax.ShapeDtypeStruct((N_PROPS, N_SYSTEMS), jnp.float32),
        scratch_shapes=[
            pltpu.VMEM((2, TPAD, _BN), jnp.float32),
            pltpu.VMEM((2, TPAD, _BN), jnp.float32),
            pltpu.SemaphoreType.DMA((2, 2)),
        ],
    )(c0, c1, w)


def kernel(weights, atom_types, system_ids, n_systems):
    del n_systems
    keys = atom_types * N_SYSTEMS + system_ids
    zeros_h = jnp.zeros((ACC_PER_TILE,), jnp.float32)
    ones_h = jnp.ones((CHUNK,), jnp.float32)
    c0, c1 = _sc_histogram(keys, zeros_h, ones_h)
    return _tc_matmul(c0, c1, weights).T

# --- scband reference (transcript-rebuilt; emitter-appended) ---
"""Pipeline reference for scband-base-composition-model-16114717295316 (READ-ONLY COPY).

The authoritative reference and input builder live on the scoring server;
editing this copy changes nothing except your own understanding.
"""

import jax, jax.numpy as jnp
import numpy as np

N_ATOMS = 1048576
N_TYPES = 119
N_PROPS = 64
N_SYSTEMS = 16384


def setup_inputs(seed: int = 0) -> dict:
    key = jax.random.key(seed)
    k1, k2, k3 = jax.random.split(key, 3)
    atom_types = jax.random.randint(k1, (N_ATOMS,), 0, N_TYPES, dtype=jnp.int32)
    system_ids = jnp.sort(jax.random.randint(k2, (N_ATOMS,), 0, N_SYSTEMS, dtype=jnp.int32))
    weights = jax.random.normal(k3, (N_TYPES, N_PROPS), dtype=jnp.float32)
    return {
        "weights": weights,
        "atom_types": atom_types,
        "system_ids": system_ids,
        "n_systems": N_SYSTEMS,
    }


def reference(weights, atom_types, system_ids, n_systems):
    # Composition-model prediction path:
    # 1) per-atom contribution = lookup of the fitted per-type weight vector
    #    (embedding lookup: weights[atom_type])
    # 2) per-structure target = sum of per-atom contributions within each system
    #    (segment reduction over sorted system ids)
    per_atom = jnp.take(weights, atom_types, axis=0)  # [N_atoms, n_props]
    per_structure = jax.ops.segment_sum(per_atom, system_ids, num_segments=N_SYSTEMS)
    n_systems_arr = jnp.asarray(n_systems)
    unit = (n_systems_arr // n_systems_arr).astype(per_structure.dtype)
    return per_structure * unit

if __name__ == "__main__":
    import jax
    _d = setup_inputs()
    print(jax.jit(kernel)(*tuple(_d.values())))

</pallas_src>

<mosaic_0001>
#map = affine_map<(d0, d1) -> (0)>
#map1 = affine_map<(d0, d1) -> (0, 0)>
module attributes {stable_mosaic.version = 14 : i64} {
  func.func @hist(%arg0: i32, %arg1: i32, %arg2: memref<1048576xi32, #tpu.memory_space<hbm>>, %arg3: memref<121856xf32, #tpu.memory_space<hbm>>, %arg4: memref<1024xf32, #tpu.memory_space<hbm>>, %arg5: memref<119x16384xf32, #tpu.memory_space<hbm>>, %arg6: memref<119x16384xf32, #tpu.memory_space<hbm>>, %arg7: memref<1024xi32, #tpu.memory_space<vmem>>, %arg8: memref<1024xi32, #tpu.memory_space<vmem>>, %arg9: memref<1024xi32, #tpu.memory_space<vmem>>, %arg10: memref<1024xi32, #tpu.memory_space<vmem>>, %arg11: memref<1024xi32, #tpu.memory_space<vmem>>, %arg12: memref<1024xi32, #tpu.memory_space<vmem>>, %arg13: memref<1024xi32, #tpu.memory_space<vmem>>, %arg14: memref<1024xf32, #tpu.memory_space<vmem>>, %arg15: memref<1949696xf32, #tpu.memory_space<vmem_shared>>, %arg16: memref<!tpu.dma_semaphore, #tpu.memory_space<semaphore_mem>>, %arg17: memref<!tpu.dma_semaphore, #tpu.memory_space<semaphore_mem>>, %arg18: memref<!tpu.dma_semaphore, #tpu.memory_space<semaphore_mem>>, %arg19: memref<!tpu.dma_semaphore, #tpu.memory_space<semaphore_mem>>, %arg20: memref<!tpu.dma_semaphore, #tpu.memory_space<semaphore_mem>>, %arg21: memref<!tpu.dma_semaphore, #tpu.memory_space<semaphore_mem>>, %arg22: memref<!tpu.dma_semaphore, #tpu.memory_space<semaphore_mem>>, %arg23: memref<!tpu.dma_semaphore, #tpu.memory_space<semaphore_mem>>, %arg24: memref<!tpu.dma_semaphore, #tpu.memory_space<semaphore_mem>>, %arg25: memref<!tpu.dma_semaphore, #tpu.memory_space<semaphore_mem>>, %arg26: memref<!tpu.dma_semaphore, #tpu.memory_space<semaphore_mem>>, %arg27: memref<!tpu.dma_semaphore, #tpu.memory_space<semaphore_mem>>, %arg28: memref<!tpu.dma_semaphore, #tpu.memory_space<semaphore_mem>>, %arg29: memref<!tpu.dma_semaphore, #tpu.memory_space<semaphore_mem>>, %arg30: memref<!tpu.dma_semaphore, #tpu.memory_space<semaphore_mem>>) attributes {dimension_semantics = [#tpu.dimension_semantics<core_parallel>, #tpu.dimension_semantics<subcore_parallel>], iteration_bounds = array<i64: 2, 16>, scalar_prefetch = 0 : i64, scratch_operands = 24 : i64, tpu.core_type = #tpu.core_type<sc_vector_subcore>, window_params = [{transform_indices = #map}, {transform_indices = #map}, {transform_indices = #map}, {transform_indices = #map1}, {transform_indices = #map1}]} {
    %mul3A = arith.constant 16 : i32
    %mul3A_0 = arith.muli %arg0, %mul3A : i32
    %add3A = arith.addi %mul3A_0, %arg1 : i32
    %mul3A_1 = arith.constant 121856 : i32
    %mul3A_2 = arith.muli %arg1, %mul3A_1 : i32
    %dma_start3A = tpu.memref_slice %arg15[%mul3A_2] : memref<1949696xf32, #tpu.memory_space<vmem_shared>> -> memref<121856xf32, #tpu.memory_space<vmem_shared>>
    tpu.enqueue_dma source(%arg3 : memref<121856xf32, #tpu.memory_space<hbm>>) target(%dma_start3A : memref<121856xf32, #tpu.memory_space<vmem_shared>>) target_semaphore(%arg16 : memref<!tpu.dma_semaphore, #tpu.memory_space<semaphore_mem>>)
    "tpu.region"() ({
      %run_scoped3A = tpu.sem_alloc : memref<!tpu.dma_semaphore, #tpu.memory_space<semaphore_mem>>
      tpu.enqueue_dma source(%arg4 : memref<1024xf32, #tpu.memory_space<hbm>>) target(%arg14 : memref<1024xf32, #tpu.memory_space<vmem>>) target_semaphore(%run_scoped3A : memref<!tpu.dma_semaphore, #tpu.memory_space<semaphore_mem>>)
      tpu.wait_dma2 semaphore(%run_scoped3A : memref<!tpu.dma_semaphore, #tpu.memory_space<semaphore_mem>>) src(%arg4 : memref<1024xf32, #tpu.memory_space<hbm>>) dst(%arg14 : memref<1024xf32, #tpu.memory_space<vmem>>)
      tpu.yield
    }) : () -> ()
    %mul3A_3 = arith.constant 32768 : i32
    %mul3A_4 = arith.muli %add3A, %mul3A_3 : i32
    %add3A_5 = arith.constant 0 : i32
    %add3A_6 = arith.addi %mul3A_4, %add3A_5 : i32
    %dma_start3A_7 = tpu.memref_slice %arg2[%add3A_6] : memref<1048576xi32, #tpu.memory_space<hbm>> -> memref<1024xi32, #tpu.memory_space<hbm>>
    %dma_start3A_8 = tpu.memref_slice %arg2[%add3A_6] : memref<1048576xi32, #tpu.memory_space<hbm>> -> memref<1024xi32, #tpu.memory_space<hbm>>
    tpu.enqueue_dma source(%dma_start3A_8 : memref<1024xi32, #tpu.memory_space<hbm>>) target(%arg7 : memref<1024xi32, #tpu.memory_space<vmem>>) target_semaphore(%arg17 : memref<!tpu.dma_semaphore, #tpu.memory_space<semaphore_mem>>)
    %mul3A_9 = arith.constant 32768 : i32
    %mul3A_10 = arith.muli %add3A, %mul3A_9 : i32
    %add3A_11 = arith.constant 1024 : i32
    %add3A_12 = arith.addi %mul3A_10, %add3A_11 : i32
    %dma_start3A_13 = tpu.memref_slice %arg2[%add3A_12] : memref<1048576xi32, #tpu.memory_space<hbm>> -> memref<1024xi32, #tpu.memory_space<hbm>>
    %dma_start3A_14 = tpu.memref_slice %arg2[%add3A_12] : memref<1048576xi32, #tpu.memory_space<hbm>> -> memref<1024xi32, #tpu.memory_space<hbm>>
    tpu.enqueue_dma source(%dma_start3A_14 : memref<1024xi32, #tpu.memory_space<hbm>>) target(%arg8 : memref<1024xi32, #tpu.memory_space<vmem>>) target_semaphore(%arg18 : memref<!tpu.dma_semaphore, #tpu.memory_space<semaphore_mem>>)
    %mul3A_15 = arith.constant 32768 : i32
    %mul3A_16 = arith.muli %add3A, %mul3A_15 : i32
    %add3A_17 = arith.constant 2048 : i32
    %add3A_18 = arith.addi %mul3A_16, %add3A_17 : i32
    %dma_start3A_19 = tpu.memref_slice %arg2[%add3A_18] : memref<1048576xi32, #tpu.memory_space<hbm>> -> memref<1024xi32, #tpu.memory_space<hbm>>
    %dma_start3A_20 = tpu.memref_slice %arg2[%add3A_18] : memref<1048576xi32, #tpu.memory_space<hbm>> -> memref<1024xi32, #tpu.memory_space<hbm>>
    tpu.enqueue_dma source(%dma_start3A_20 : memref<1024xi32, #tpu.memory_space<hbm>>) target(%arg9 : memref<1024xi32, #tpu.memory_space<vmem>>) target_semaphore(%arg19 : memref<!tpu.dma_semaphore, #tpu.memory_space<semaphore_mem>>)
    %mul3A_21 = arith.constant 32768 : i32
    %mul3A_22 = arith.muli %add3A, %mul3A_21 : i32
    %add3A_23 = arith.constant 3072 : i32
    %add3A_24 = arith.addi %mul3A_22, %add3A_23 : i32
    %dma_start3A_25 = tpu.memref_slice %arg2[%add3A_24] : memref<1048576xi32, #tpu.memory_space<hbm>> -> memref<1024xi32, #tpu.memory_space<hbm>>
    %dma_start3A_26 = tpu.memref_slice %arg2[%add3A_24] : memref<1048576xi32, #tpu.memory_space<hbm>> -> memref<1024xi32, #tpu.memory_space<hbm>>
    tpu.enqueue_dma source(%dma_start3A_26 : memref<1024xi32, #tpu.memory_space<hbm>>) target(%arg10 : memref<1024xi32, #tpu.memory_space<vmem>>) target_semaphore(%arg20 : memref<!tpu.dma_semaphore, #tpu.memory_space<semaphore_mem>>)
    %mul3A_27 = arith.constant 32768 : i32
    %mul3A_28 = arith.muli %add3A, %mul3A_27 : i32
    %add3A_29 = arith.constant 4096 : i32
    %add3A_30 = arith.addi %mul3A_28, %add3A_29 : i32
    %dma_start3A_31 = tpu.memref_slice %arg2[%add3A_30] : memref<1048576xi32, #tpu.memory_space<hbm>> -> memref<1024xi32, #tpu.memory_space<hbm>>
    %dma_start3A_32 = tpu.memref_slice %arg2[%add3A_30] : memref<1048576xi32, #tpu.memory_space<hbm>> -> memref<1024xi32, #tpu.memory_space<hbm>>
    tpu.enqueue_dma source(%dma_start3A_32 : memref<1024xi32, #tpu.memory_space<hbm>>) target(%arg11 : memref<1024xi32, #tpu.memory_space<vmem>>) target_semaphore(%arg21 : memref<!tpu.dma_semaphore, #tpu.memory_space<semaphore_mem>>)
    %mul3A_33 = arith.constant 32768 : i32
    %mul3A_34 = arith.muli %add3A, %mul3A_33 : i32
    %add3A_35 = arith.constant 5120 : i32
    %add3A_36 = arith.addi %mul3A_34, %add3A_35 : i32
    %dma_start3A_37 = tpu.memref_slice %arg2[%add3A_36] : memref<1048576xi32, #tpu.memory_space<hbm>> -> memref<1024xi32, #tpu.memory_space<hbm>>
    %dma_start3A_38 = tpu.memref_slice %arg2[%add3A_36] : memref<1048576xi32, #tpu.memory_space<hbm>> -> memref<1024xi32, #tpu.memory_space<hbm>>
    tpu.enqueue_dma source(%dma_start3A_38 : memref<1024xi32, #tpu.memory_space<hbm>>) target(%arg12 : memref<1024xi32, #tpu.memory_space<vmem>>) target_semaphore(%arg22 : memref<!tpu.dma_semaphore, #tpu.memory_space<semaphore_mem>>)
    %dma_wait3A = tpu.memref_slice %arg15[%mul3A_2] : memref<1949696xf32, #tpu.memory_space<vmem_shared>> -> memref<121856xf32, #tpu.memory_space<vmem_shared>>
    tpu.wait_dma2 semaphore(%arg16 : memref<!tpu.dma_semaphore, #tpu.memory_space<semaphore_mem>>) src(%arg3 : memref<121856xf32, #tpu.memory_space<hbm>>) dst(%dma_wait3A : memref<121856xf32, #tpu.memory_space<vmem_shared>>)
    %barrier3A = arith.constant 0 : index
    tpu.barrier barrier_id(%barrier3A)
    %dma_wait3A_39 = tpu.memref_slice %arg2[%add3A_6] : memref<1048576xi32, #tpu.memory_space<hbm>> -> memref<1024xi32, #tpu.memory_space<hbm>>
    %dma_wait3A_40 = tpu.memref_slice %arg2[%add3A_6] : memref<1048576xi32, #tpu.memory_space<hbm>> -> memref<1024xi32, #tpu.memory_space<hbm>>
    tpu.wait_dma2 semaphore(%arg17 : memref<!tpu.dma_semaphore, #tpu.memory_space<semaphore_mem>>) src(%dma_wait3A_40 : memref<1024xi32, #tpu.memory_space<hbm>>) dst(%arg7 : memref<1024xi32, #tpu.memory_space<vmem>>)
    %dma_start3A_41 = arith.constant 0 : i32
    %dma_start3A_42 = tpu.memref_slice %arg15[%dma_start3A_41] : memref<1949696xf32, #tpu.memory_space<vmem_shared>> -> memref<1949696xf32, #tpu.memory_space<vmem_shared>>
    tpu.enqueue_indirect_dma source(%arg14 : memref<1024xf32, #tpu.memory_space<vmem>>) target(%dma_start3A_42 : memref<1949696xf32, #tpu.memory_space<vmem_shared>>) offsets(%arg7 : memref<1024xi32, #tpu.memory_space<vmem>>) semaphore(%arg24 : memref<!tpu.dma_semaphore, #tpu.memory_space<semaphore_mem>>) {add = true}
    %mul3A_43 = arith.constant 32768 : i32
    %mul3A_44 = arith.muli %add3A, %mul3A_43 : i32
    %add3A_45 = arith.constant 6144 : i32
    %add3A_46 = arith.addi %mul3A_44, %add3A_45 : i32
    %dma_start3A_47 = tpu.memref_slice %arg2[%add3A_46] : memref<1048576xi32, #tpu.memory_space<hbm>> -> memref<1024xi32, #tpu.memory_space<hbm>>
    %dma_start3A_48 = tpu.memref_slice %arg2[%add3A_46] : memref<1048576xi32, #tpu.memory_space<hbm>> -> memref<1024xi32, #tpu.memory_space<hbm>>
    tpu.enqueue_dma source(%dma_start3A_48 : memref<1024xi32, #tpu.memory_space<hbm>>) target(%arg13 : memref<1024xi32, #tpu.memory_space<vmem>>) target_semaphore(%arg23 : memref<!tpu.dma_semaphore, #tpu.memory_space<semaphore_mem>>)
    %dma_wait3A_49 = tpu.memref_slice %arg2[%add3A_12] : memref<1048576xi32, #tpu.memory_space<hbm>> -> memref<1024xi32, #tpu.memory_space<hbm>>
    %dma_wait3A_50 = tpu.memref_slice %arg2[%add3A_12] : memref<1048576xi32, #tpu.memory_space<hbm>> -> memref<1024xi32, #tpu.memory_space<hbm>>
    tpu.wait_dma2 semaphore(%arg18 : memref<!tpu.dma_semaphore, #tpu.memory_space<semaphore_mem>>) src(%dma_wait3A_50 : memref<1024xi32, #tpu.memory_space<hbm>>) dst(%arg8 : memref<1024xi32, #tpu.memory_space<vmem>>)
    %dma_start3A_51 = arith.constant 0 : i32
    %dma_start3A_52 = tpu.memref_slice %arg15[%dma_start3A_51] : memref<1949696xf32, #tpu.memory_space<vmem_shared>> -> memref<1949696xf32, #tpu.memory_space<vmem_shared>>
    tpu.enqueue_indirect_dma source(%arg14 : memref<1024xf32, #tpu.memory_space<vmem>>) target(%dma_start3A_52 : memref<1949696xf32, #tpu.memory_space<vmem_shared>>) offsets(%arg8 : memref<1024xi32, #tpu.memory_space<vmem>>) semaphore(%arg25 : memref<!tpu.dma_semaphore, #tpu.memory_space<semaphore_mem>>) {add = true}
    %dma_wait3A_53 = arith.constant 0 : i32
    %dma_wait3A_54 = tpu.memref_slice %arg15[%dma_wait3A_53] : memref<1949696xf32, #tpu.memory_space<vmem_shared>> -> memref<1949696xf32, #tpu.memory_space<vmem_shared>>
    tpu.wait_indirect_dma semaphore(%arg24 : memref<!tpu.dma_semaphore, #tpu.memory_space<semaphore_mem>>) src(%arg14 : memref<1024xf32, #tpu.memory_space<vmem>>) dst(%dma_wait3A_54 : memref<1949696xf32, #tpu.memory_space<vmem_shared>>)
    %mul3A_55 = arith.constant 32768 : i32
    %mul3A_56 = arith.muli %add3A, %mul3A_55 : i32
    %add3A_57 = arith.constant 7168 : i32
    %add3A_58 = arith.addi %mul3A_56, %add3A_57 : i32
    %dma_start3A_59 = tpu.memref_slice %arg2[%add3A_58] : memref<1048576xi32, #tpu.memory_space<hbm>> -> memref<1024xi32, #tpu.memory_space<hbm>>
    %dma_start3A_60 = tpu.memref_slice %arg2[%add3A_58] : memref<1048576xi32, #tpu.memory_space<hbm>> -> memref<1024xi32, #tpu.memory_space<hbm>>
    tpu.enqueue_dma source(%dma_start3A_60 : memref<1024xi32, #tpu.memory_space<hbm>>) target(%arg7 : memref<1024xi32, #tpu.memory_space<vmem>>) target_semaphore(%arg17 : memref<!tpu.dma_semaphore, #tpu.memory_space<semaphore_mem>>)
    %dma_wait3A_61 = tpu.memref_slice %arg2[%add3A_18] : memref<1048576xi32, #tpu.memory_space<hbm>> -> memref<1024xi32, #tpu.memory_space<hbm>>
    %dma_wait3A_62 = tpu.memref_slice %arg2[%add3A_18] : memref<1048576xi32, #tpu.memory_space<hbm>> -> memref<1024xi32, #tpu.memory_space<hbm>>
    tpu.wait_dma2 semaphore(%arg19 : memref<!tpu.dma_semaphore, #tpu.memory_space<semaphore_mem>>) src(%dma_wait3A_62 : memref<1024xi32, #tpu.memory_space<hbm>>) dst(%arg9 : memref<1024xi32, #tpu.memory_space<vmem>>)
    %dma_start3A_63 = arith.constant 0 : i32
    %dma_start3A_64 = tpu.memref_slice %arg15[%dma_start3A_63] : memref<1949696xf32, #tpu.memory_space<vmem_shared>> -> memref<1949696xf32, #tpu.memory_space<vmem_shared>>
    tpu.enqueue_indirect_dma source(%arg14 : memref<1024xf32, #tpu.memory_space<vmem>>) target(%dma_start3A_64 : memref<1949696xf32, #tpu.memory_space<vmem_shared>>) offsets(%arg9 : memref<1024xi32, #tpu.memory_space<vmem>>) semaphore(%arg26 : memref<!tpu.dma_semaphore, #tpu.memory_space<semaphore_mem>>) {add = true}
    %dma_wait3A_65 = arith.constant 0 : i32
    %dma_wait3A_66 = tpu.memref_slice %arg15[%dma_wait3A_65] : memref<1949696xf32, #tpu.memory_space<vmem_shared>> -> memref<1949696xf32, #tpu.memory_space<vmem_shared>>
    tpu.wait_indirect_dma semaphore(%arg25 : memref<!tpu.dma_semaphore, #tpu.memory_space<semaphore_mem>>) src(%arg14 : memref<1024xf32, #tpu.memory_space<vmem>>) dst(%dma_wait3A_66 : memref<1949696xf32, #tpu.memory_space<vmem_shared>>)
    %mul3A_67 = arith.constant 32768 : i32
    %mul3A_68 = arith.muli %add3A, %mul3A_67 : i32
    %add3A_69 = arith.constant 8192 : i32
    %add3A_70 = arith.addi %mul3A_68, %add3A_69 : i32
    %dma_start3A_71 = tpu.memref_slice %arg2[%add3A_70] : memref<1048576xi32, #tpu.memory_space<hbm>> -> memref<1024xi32, #tpu.memory_space<hbm>>
    %dma_start3A_72 = tpu.memref_slice %arg2[%add3A_70] : memref<1048576xi32, #tpu.memory_space<hbm>> -> memref<1024xi32, #tpu.memory_space<hbm>>
    tpu.enqueue_dma source(%dma_start3A_72 : memref<1024xi32, #tpu.memory_space<hbm>>) target(%arg8 : memref<1024xi32, #tpu.memory_space<vmem>>) target_semaphore(%arg18 : memref<!tpu.dma_semaphore, #tpu.memory_space<semaphore_mem>>)
    %dma_wait3A_73 = tpu.memref_slice %arg2[%add3A_24] : memref<1048576xi32, #tpu.memory_space<hbm>> -> memref<1024xi32, #tpu.memory_space<hbm>>
    %dma_wait3A_74 = tpu.memref_slice %arg2[%add3A_24] : memref<1048576xi32, #tpu.memory_space<hbm>> -> memref<1024xi32, #tpu.memory_space<hbm>>
    tpu.wait_dma2 semaphore(%arg20 : memref<!tpu.dma_semaphore, #tpu.memory_space<semaphore_mem>>) src(%dma_wait3A_74 : memref<1024xi32, #tpu.memory_space<hbm>>) dst(%arg10 : memref<1024xi32, #tpu.memory_space<vmem>>)
    %dma_start3A_75 = arith.constant 0 : i32
    %dma_start3A_76 = tpu.memref_slice %arg15[%dma_start3A_75] : memref<1949696xf32, #tpu.memory_space<vmem_shared>> -> memref<1949696xf32, #tpu.memory_space<vmem_shared>>
    tpu.enqueue_indirect_dma source(%arg14 : memref<1024xf32, #tpu.memory_space<vmem>>) target(%dma_start3A_76 : memref<1949696xf32, #tpu.memory_space<vmem_shared>>) offsets(%arg10 : memref<1024xi32, #tpu.memory_space<vmem>>) semaphore(%arg27 : memref<!tpu.dma_semaphore, #tpu.memory_space<semaphore_mem>>) {add = true}
    %dma_wait3A_77 = arith.constant 0 : i32
    %dma_wait3A_78 = tpu.memref_slice %arg15[%dma_wait3A_77] : memref<1949696xf32, #tpu.memory_space<vmem_shared>> -> memref<1949696xf32, #tpu.memory_space<vmem_shared>>
    tpu.wait_indirect_dma semaphore(%arg26 : memref<!tpu.dma_semaphore, #tpu.memory_space<semaphore_mem>>) src(%arg14 : memref<1024xf32, #tpu.memory_space<vmem>>) dst(%dma_wait3A_78 : memref<1949696xf32, #tpu.memory_space<vmem_shared>>)
    %mul3A_79 = arith.constant 32768 : i32
    %mul3A_80 = arith.muli %add3A, %mul3A_79 : i32
    %add3A_81 = arith.constant 9216 : i32
    %add3A_82 = arith.addi %mul3A_80, %add3A_81 : i32
    %dma_start3A_83 = tpu.memref_slice %arg2[%add3A_82] : memref<1048576xi32, #tpu.memory_space<hbm>> -> memref<1024xi32, #tpu.memory_space<hbm>>
    %dma_start3A_84 = tpu.memref_slice %arg2[%add3A_82] : memref<1048576xi32, #tpu.memory_space<hbm>> -> memref<1024xi32, #tpu.memory_space<hbm>>
    tpu.enqueue_dma source(%dma_start3A_84 : memref<1024xi32, #tpu.memory_space<hbm>>) target(%arg9 : memref<1024xi32, #tpu.memory_space<vmem>>) target_semaphore(%arg19 : memref<!tpu.dma_semaphore, #tpu.memory_space<semaphore_mem>>)
    %dma_wait3A_85 = tpu.memref_slice %arg2[%add3A_30] : memref<1048576xi32, #tpu.memory_space<hbm>> -> memref<1024xi32, #tpu.memory_space<hbm>>
    %dma_wait3A_86 = tpu.memref_slice %arg2[%add3A_30] : memref<1048576xi32, #tpu.memory_space<hbm>> -> memref<1024xi32, #tpu.memory_space<hbm>>
    tpu.wait_dma2 semaphore(%arg21 : memref<!tpu.dma_semaphore, #tpu.memory_space<semaphore_mem>>) src(%dma_wait3A_86 : memref<1024xi32, #tpu.memory_space<hbm>>) dst(%arg11 : memref<1024xi32, #tpu.memory_space<vmem>>)
    %dma_start3A_87 = arith.constant 0 : i32
    %dma_start3A_88 = tpu.memref_slice %arg15[%dma_start3A_87] : memref<1949696xf32, #tpu.memory_space<vmem_shared>> -> memref<1949696xf32, #tpu.memory_space<vmem_shared>>
    tpu.enqueue_indirect_dma source(%arg14 : memref<1024xf32, #tpu.memory_space<vmem>>) target(%dma_start3A_88 : memref<1949696xf32, #tpu.memory_space<vmem_shared>>) offsets(%arg11 : memref<1024xi32, #tpu.memory_space<vmem>>) semaphore(%arg28 : memref<!tpu.dma_semaphore, #tpu.memory_space<semaphore_mem>>) {add = true}
    %dma_wait3A_89 = arith.constant 0 : i32
    %dma_wait3A_90 = tpu.memref_slice %arg15[%dma_wait3A_89] : memref<1949696xf32, #tpu.memory_space<vmem_shared>> -> memref<1949696xf32, #tpu.memory_space<vmem_shared>>
    tpu.wait_indirect_dma semaphore(%arg27 : memref<!tpu.dma_semaphore, #tpu.memory_space<semaphore_mem>>) src(%arg14 : memref<1024xf32, #tpu.memory_space<vmem>>) dst(%dma_wait3A_90 : memref<1949696xf32, #tpu.memory_space<vmem_shared>>)
    %mul3A_91 = arith.constant 32768 : i32
    %mul3A_92 = arith.muli %add3A, %mul3A_91 : i32
    %add3A_93 = arith.constant 10240 : i32
    %add3A_94 = arith.addi %mul3A_92, %add3A_93 : i32
    %dma_start3A_95 = tpu.memref_slice %arg2[%add3A_94] : memref<1048576xi32, #tpu.memory_space<hbm>> -> memref<1024xi32, #tpu.memory_space<hbm>>
    %dma_start3A_96 = tpu.memref_slice %arg2[%add3A_94] : memref<1048576xi32, #tpu.memory_space<hbm>> -> memref<1024xi32, #tpu.memory_space<hbm>>
    tpu.enqueue_dma source(%dma_start3A_96 : memref<1024xi32, #tpu.memory_space<hbm>>) target(%arg10 : memref<1024xi32, #tpu.memory_space<vmem>>) target_semaphore(%arg20 : memref<!tpu.dma_semaphore, #tpu.memory_space<semaphore_mem>>)
    %dma_wait3A_97 = tpu.memref_slice %arg2[%add3A_36] : memref<1048576xi32, #tpu.memory_space<hbm>> -> memref<1024xi32, #tpu.memory_space<hbm>>
    %dma_wait3A_98 = tpu.memref_slice %arg2[%add3A_36] : memref<1048576xi32, #tpu.memory_space<hbm>> -> memref<1024xi32, #tpu.memory_space<hbm>>
    tpu.wait_dma2 semaphore(%arg22 : memref<!tpu.dma_semaphore, #tpu.memory_space<semaphore_mem>>) src(%dma_wait3A_98 : memref<1024xi32, #tpu.memory_space<hbm>>) dst(%arg12 : memref<1024xi32, #tpu.memory_space<vmem>>)
    %dma_start3A_99 = arith.constant 0 : i32
    %dma_start3A_100 = tpu.memref_slice %arg15[%dma_start3A_99] : memref<1949696xf32, #tpu.memory_space<vmem_shared>> -> memref<1949696xf32, #tpu.memory_space<vmem_shared>>
    tpu.enqueue_indirect_dma source(%arg14 : memref<1024xf32, #tpu.memory_space<vmem>>) target(%dma_start3A_100 : memref<1949696xf32, #tpu.memory_space<vmem_shared>>) offsets(%arg12 : memref<1024xi32, #tpu.memory_space<vmem>>) semaphore(%arg29 : memref<!tpu.dma_semaphore, #tpu.memory_space<semaphore_mem>>) {add = true}
    %dma_wait3A_101 = arith.constant 0 : i32
    %dma_wait3A_102 = tpu.memref_slice %arg15[%dma_wait3A_101] : memref<1949696xf32, #tpu.memory_space<vmem_shared>> -> memref<1949696xf32, #tpu.memory_space<vmem_shared>>
    tpu.wait_indirect_dma semaphore(%arg28 : memref<!tpu.dma_semaphore, #tpu.memory_space<semaphore_mem>>) src(%arg14 : memref<1024xf32, #tpu.memory_space<vmem>>) dst(%dma_wait3A_102 : memref<1949696xf32, #tpu.memory_space<vmem_shared>>)
    %mul3A_103 = arith.constant 32768 : i32
    %mul3A_104 = arith.muli %add3A, %mul3A_103 : i32
    %add3A_105 = arith.constant 11264 : i32
    %add3A_106 = arith.addi %mul3A_104, %add3A_105 : i32
    %dma_start3A_107 = tpu.memref_slice %arg2[%add3A_106] : memref<1048576xi32, #tpu.memory_space<hbm>> -> memref<1024xi32, #tpu.memory_space<hbm>>
    %dma_start3A_108 = tpu.memref_slice %arg2[%add3A_106] : memref<1048576xi32, #tpu.memory_space<hbm>> -> memref<1024xi32, #tpu.memory_space<hbm>>
    tpu.enqueue_dma source(%dma_start3A_108 : memref<1024xi32, #tpu.memory_space<hbm>>) target(%arg11 : memref<1024xi32, #tpu.memory_space<vmem>>) target_semaphore(%arg21 : memref<!tpu.dma_semaphore, #tpu.memory_space<semaphore_mem>>)
    %dma_wait3A_109 = tpu.memref_slice %arg2[%add3A_46] : memref<1048576xi32, #tpu.memory_space<hbm>> -> memref<1024xi32, #tpu.memory_space<hbm>>
    %dma_wait3A_110 = tpu.memref_slice %arg2[%add3A_46] : memref<1048576xi32, #tpu.memory_space<hbm>> -> memref<1024xi32, #tpu.memory_space<hbm>>
    tpu.wait_dma2 semaphore(%arg23 : memref<!tpu.dma_semaphore, #tpu.memory_space<semaphore_mem>>) src(%dma_wait3A_110 : memref<1024xi32, #tpu.memory_space<hbm>>) dst(%arg13 : memref<1024xi32, #tpu.memory_space<vmem>>)
    %dma_start3A_111 = arith.constant 0 : i32
    %dma_start3A_112 = tpu.memref_slice %arg15[%dma_start3A_111] : memref<1949696xf32, #tpu.memory_space<vmem_shared>> -> memref<1949696xf32, #tpu.memory_space<vmem_shared>>
    tpu.enqueue_indirect_dma source(%arg14 : memref<1024xf32, #tpu.memory_space<vmem>>) target(%dma_start3A_112 : memref<1949696xf32, #tpu.memory_space<vmem_shared>>) offsets(%arg13 : memref<1024xi32, #tpu.memory_space<vmem>>) semaphore(%arg30 : memref<!tpu.dma_semaphore, #tpu.memory_space<semaphore_mem>>) {add = true}
    %dma_wait3A_113 = arith.constant 0 : i32
    %dma_wait3A_114 = tpu.memref_slice %arg15[%dma_wait3A_113] : memref<1949696xf32, #tpu.memory_space<vmem_shared>> -> memref<1949696xf32, #tpu.memory_space<vmem_shared>>
    tpu.wait_indirect_dma semaphore(%arg29 : memref<!tpu.dma_semaphore, #tpu.memory_space<semaphore_mem>>) src(%arg14 : memref<1024xf32, #tpu.memory_space<vmem>>) dst(%dma_wait3A_114 : memref<1949696xf32, #tpu.memory_space<vmem_shared>>)
    %mul3A_115 = arith.constant 32768 : i32
    %mul3A_116 = arith.muli %add3A, %mul3A_115 : i32
    %add3A_117 = arith.constant 12288 : i32
    %add3A_118 = arith.addi %mul3A_116, %add3A_117 : i32
    %dma_start3A_119 = tpu.memref_slice %arg2[%add3A_118] : memref<1048576xi32, #tpu.memory_space<hbm>> -> memref<1024xi32, #tpu.memory_space<hbm>>
    %dma_start3A_120 = tpu.memref_slice %arg2[%add3A_118] : memref<1048576xi32, #tpu.memory_space<hbm>> -> memref<1024xi32, #tpu.memory_space<hbm>>
    tpu.enqueue_dma source(%dma_start3A_120 : memref<1024xi32, #tpu.memory_space<hbm>>) target(%arg12 : memref<1024xi32, #tpu.memory_space<vmem>>) target_semaphore(%arg22 : memref<!tpu.dma_semaphore, #tpu.memory_space<semaphore_mem>>)
    %dma_wait3A_121 = tpu.memref_slice %arg2[%add3A_58] : memref<1048576xi32, #tpu.memory_space<hbm>> -> memref<1024xi32, #tpu.memory_space<hbm>>
    %dma_wait3A_122 = tpu.memref_slice %arg2[%add3A_58] : memref<1048576xi32, #tpu.memory_space<hbm>> -> memref<1024xi32, #tpu.memory_space<hbm>>
    tpu.wait_dma2 semaphore(%arg17 : memref<!tpu.dma_semaphore, #tpu.memory_space<semaphore_mem>>) src(%dma_wait3A_122 : memref<1024xi32, #tpu.memory_space<hbm>>) dst(%arg7 : memref<1024xi32, #tpu.memory_space<vmem>>)
    %dma_start3A_123 = arith.constant 0 : i32
    %dma_start3A_124 = tpu.memref_slice %arg15[%dma_start3A_123] : memref<1949696xf32, #tpu.memory_space<vmem_shared>> -> memref<1949696xf32, #tpu.memory_space<vmem_shared>>
    tpu.enqueue_indirect_dma source(%arg14 : memref<1024xf32, #tpu.memory_space<vmem>>) target(%dma_start3A_124 : memref<1949696xf32, #tpu.memory_space<vmem_shared>>) offsets(%arg7 : memref<1024xi32, #tpu.memory_space<vmem>>) semaphore(%arg24 : memref<!tpu.dma_semaphore, #tpu.memory_space<semaphore_mem>>) {add = true}
    %dma_wait3A_125 = arith.constant 0 : i32
    %dma_wait3A_126 = tpu.memref_slice %arg15[%dma_wait3A_125] : memref<1949696xf32, #tpu.memory_space<vmem_shared>> -> memref<1949696xf32, #tpu.memory_space<vmem_shared>>
    tpu.wait_indirect_dma semaphore(%arg30 : memref<!tpu.dma_semaphore, #tpu.memory_space<semaphore_mem>>) src(%arg14 : memref<1024xf32, #tpu.memory_space<vmem>>) dst(%dma_wait3A_126 : memref<1949696xf32, #tpu.memory_space<vmem_shared>>)
    %mul3A_127 = arith.constant 32768 : i32
    %mul3A_128 = arith.muli %add3A, %mul3A_127 : i32
    %add3A_129 = arith.constant 13312 : i32
    %add3A_130 = arith.addi %mul3A_128, %add3A_129 : i32
    %dma_start3A_131 = tpu.memref_slice %arg2[%add3A_130] : memref<1048576xi32, #tpu.memory_space<hbm>> -> memref<1024xi32, #tpu.memory_space<hbm>>
    %dma_start3A_132 = tpu.memref_slice %arg2[%add3A_130] : memref<1048576xi32, #tpu.memory_space<hbm>> -> memref<1024xi32, #tpu.memory_space<hbm>>
    tpu.enqueue_dma source(%dma_start3A_132 : memref<1024xi32, #tpu.memory_space<hbm>>) target(%arg13 : memref<1024xi32, #tpu.memory_space<vmem>>) target_semaphore(%arg23 : memref<!tpu.dma_semaphore, #tpu.memory_space<semaphore_mem>>)
    %dma_wait3A_133 = tpu.memref_slice %arg2[%add3A_70] : memref<1048576xi32, #tpu.memory_space<hbm>> -> memref<1024xi32, #tpu.memory_space<hbm>>
    %dma_wait3A_134 = tpu.memref_slice %arg2[%add3A_70] : memref<1048576xi32, #tpu.memory_space<hbm>> -> memref<1024xi32, #tpu.memory_space<hbm>>
    tpu.wait_dma2 semaphore(%arg18 : memref<!tpu.dma_semaphore, #tpu.memory_space<semaphore_mem>>) src(%dma_wait3A_134 : memref<1024xi32, #tpu.memory_space<hbm>>) dst(%arg8 : memref<1024xi32, #tpu.memory_space<vmem>>)
    %dma_start3A_135 = arith.constant 0 : i32
    %dma_start3A_136 = tpu.memref_slice %arg15[%dma_start3A_135] : memref<1949696xf32, #tpu.memory_space<vmem_shared>> -> memref<1949696xf32, #tpu.memory_space<vmem_shared>>
    tpu.enqueue_indirect_dma source(%arg14 : memref<1024xf32, #tpu.memory_space<vmem>>) target(%dma_start3A_136 : memref<1949696xf32, #tpu.memory_space<vmem_shared>>) offsets(%arg8 : memref<1024xi32, #tpu.memory_space<vmem>>) semaphore(%arg25 : memref<!tpu.dma_semaphore, #tpu.memory_space<semaphore_mem>>) {add = true}
    %dma_wait3A_137 = arith.constant 0 : i32
    %dma_wait3A_138 = tpu.memref_slice %arg15[%dma_wait3A_137] : memref<1949696xf32, #tpu.memory_space<vmem_shared>> -> memref<1949696xf32, #tpu.memory_space<vmem_shared>>
    tpu.wait_indirect_dma semaphore(%arg24 : memref<!tpu.dma_semaphore, #tpu.memory_space<semaphore_mem>>) src(%arg14 : memref<1024xf32, #tpu.memory_space<vmem>>) dst(%dma_wait3A_138 : memref<1949696xf32, #tpu.memory_space<vmem_shared>>)
    %mul3A_139 = arith.constant 32768 : i32
    %mul3A_140 = arith.muli %add3A, %mul3A_139 : i32
    %add3A_141 = arith.constant 14336 : i32
    %add3A_142 = arith.addi %mul3A_140, %add3A_141 : i32
    %dma_start3A_143 = tpu.memref_slice %arg2[%add3A_142] : memref<1048576xi32, #tpu.memory_space<hbm>> -> memref<1024xi32, #tpu.memory_space<hbm>>
    %dma_start3A_144 = tpu.memref_slice %arg2[%add3A_142] : memref<1048576xi32, #tpu.memory_space<hbm>> -> memref<1024xi32, #tpu.memory_space<hbm>>
    tpu.enqueue_dma source(%dma_start3A_144 : memref<1024xi32, #tpu.memory_space<hbm>>) target(%arg7 : memref<1024xi32, #tpu.memory_space<vmem>>) target_semaphore(%arg17 : memref<!tpu.dma_semaphore, #tpu.memory_space<semaphore_mem>>)
    %dma_wait3A_145 = tpu.memref_slice %arg2[%add3A_82] : memref<1048576xi32, #tpu.memory_space<hbm>> -> memref<1024xi32, #tpu.memory_space<hbm>>
    %dma_wait3A_146 = tpu.memref_slice %arg2[%add3A_82] : memref<1048576xi32, #tpu.memory_space<hbm>> -> memref<1024xi32, #tpu.memory_space<hbm>>
    tpu.wait_dma2 semaphore(%arg19 : memref<!tpu.dma_semaphore, #tpu.memory_space<semaphore_mem>>) src(%dma_wait3A_146 : memref<1024xi32, #tpu.memory_space<hbm>>) dst(%arg9 : memref<1024xi32, #tpu.memory_space<vmem>>)
    %dma_start3A_147 = arith.constant 0 : i32
    %dma_start3A_148 = tpu.memref_slice %arg15[%dma_start3A_147] : memref<1949696xf32, #tpu.memory_space<vmem_shared>> -> memref<1949696xf32, #tpu.memory_space<vmem_shared>>
    tpu.enqueue_indirect_dma source(%arg14 : memref<1024xf32, #tpu.memory_space<vmem>>) target(%dma_start3A_148 : memref<1949696xf32, #tpu.memory_space<vmem_shared>>) offsets(%arg9 : memref<1024xi32, #tpu.memory_space<vmem>>) semaphore(%arg26 : memref<!tpu.dma_semaphore, #tpu.memory_space<semaphore_mem>>) {add = true}
    %dma_wait3A_149 = arith.constant 0 : i32
    %dma_wait3A_150 = tpu.memref_slice %arg15[%dma_wait3A_149] : memref<1949696xf32, #tpu.memory_space<vmem_shared>> -> memref<1949696xf32, #tpu.memory_space<vmem_shared>>
    tpu.wait_indirect_dma semaphore(%arg25 : memref<!tpu.dma_semaphore, #tpu.memory_space<semaphore_mem>>) src(%arg14 : memref<1024xf32, #tpu.memory_space<vmem>>) dst(%dma_wait3A_150 : memref<1949696xf32, #tpu.memory_space<vmem_shared>>)
    %mul3A_151 = arith.constant 32768 : i32
    %mul3A_152 = arith.muli %add3A, %mul3A_151 : i32
    %add3A_153 = arith.constant 15360 : i32
    %add3A_154 = arith.addi %mul3A_152, %add3A_153 : i32
    %dma_start3A_155 = tpu.memref_slice %arg2[%add3A_154] : memref<1048576xi32, #tpu.memory_space<hbm>> -> memref<1024xi32, #tpu.memory_space<hbm>>
    %dma_start3A_156 = tpu.memref_slice %arg2[%add3A_154] : memref<1048576xi32, #tpu.memory_space<hbm>> -> memref<1024xi32, #tpu.memory_space<hbm>>
    tpu.enqueue_dma source(%dma_start3A_156 : memref<1024xi32, #tpu.memory_space<hbm>>) target(%arg8 : memref<1024xi32, #tpu.memory_space<vmem>>) target_semaphore(%arg18 : memref<!tpu.dma_semaphore, #tpu.memory_space<semaphore_mem>>)
    %dma_wait3A_157 = tpu.memref_slice %arg2[%add3A_94] : memref<1048576xi32, #tpu.memory_space<hbm>> -> memref<1024xi32, #tpu.memory_space<hbm>>
    %dma_wait3A_158 = tpu.memref_slice %arg2[%add3A_94] : memref<1048576xi32, #tpu.memory_space<hbm>> -> memref<1024xi32, #tpu.memory_space<hbm>>
    tpu.wait_dma2 semaphore(%arg20 : memref<!tpu.dma_semaphore, #tpu.memory_space<semaphore_mem>>) src(%dma_wait3A_158 : memref<1024xi32, #tpu.memory_space<hbm>>) dst(%arg10 : memref<1024xi32, #tpu.memory_space<vmem>>)
    %dma_start3A_159 = arith.constant 0 : i32
    %dma_start3A_160 = tpu.memref_slice %arg15[%dma_start3A_159] : memref<1949696xf32, #tpu.memory_space<vmem_shared>> -> memref<1949696xf32, #tpu.memory_space<vmem_shared>>
    tpu.enqueue_indirect_dma source(%arg14 : memref<1024xf32, #tpu.memory_space<vmem>>) target(%dma_start3A_160 : memref<1949696xf32, #tpu.memory_space<vmem_shared>>) offsets(%arg10 : memref<1024xi32, #tpu.memory_space<vmem>>) semaphore(%arg27 : memref<!tpu.dma_semaphore, #tpu.memory_space<semaphore_mem>>) {add = true}
    %dma_wait3A_161 = arith.constant 0 : i32
    %dma_wait3A_162 = tpu.memref_slice %arg15[%dma_wait3A_161] : memref<1949696xf32, #tpu.memory_space<vmem_shared>> -> memref<1949696xf32, #tpu.memory_space<vmem_shared>>
    tpu.wait_indirect_dma semaphore(%arg26 : memref<!tpu.dma_semaphore, #tpu.memory_space<semaphore_mem>>) src(%arg14 : memref<1024xf32, #tpu.memory_space<vmem>>) dst(%dma_wait3A_162 : memref<1949696xf32, #tpu.memory_space<vmem_shared>>)
    %mul3A_163 = arith.constant 32768 : i32
    %mul3A_164 = arith.muli %add3A, %mul3A_163 : i32
    %add3A_165 = arith.constant 16384 : i32
    %add3A_166 = arith.addi %mul3A_164, %add3A_165 : i32
    %dma_start3A_167 = tpu.memref_slice %arg2[%add3A_166] : memref<1048576xi32, #tpu.memory_space<hbm>> -> memref<1024xi32, #tpu.memory_space<hbm>>
    %dma_start3A_168 = tpu.memref_slice %arg2[%add3A_166] : memref<1048576xi32, #tpu.memory_space<hbm>> -> memref<1024xi32, #tpu.memory_space<hbm>>
    tpu.enqueue_dma source(%dma_start3A_168 : memref<1024xi32, #tpu.memory_space<hbm>>) target(%arg9 : memref<1024xi32, #tpu.memory_space<vmem>>) target_semaphore(%arg19 : memref<!tpu.dma_semaphore, #tpu.memory_space<semaphore_mem>>)
    %dma_wait3A_169 = tpu.memref_slice %arg2[%add3A_106] : memref<1048576xi32, #tpu.memory_space<hbm>> -> memref<1024xi32, #tpu.memory_space<hbm>>
    %dma_wait3A_170 = tpu.memref_slice %arg2[%add3A_106] : memref<1048576xi32, #tpu.memory_space<hbm>> -> memref<1024xi32, #tpu.memory_space<hbm>>
    tpu.wait_dma2 semaphore(%arg21 : memref<!tpu.dma_semaphore, #tpu.memory_space<semaphore_mem>>) src(%dma_wait3A_170 : memref<1024xi32, #tpu.memory_space<hbm>>) dst(%arg11 : memref<1024xi32, #tpu.memory_space<vmem>>)
    %dma_start3A_171 = arith.constant 0 : i32
    %dma_start3A_172 = tpu.memref_slice %arg15[%dma_start3A_171] : memref<1949696xf32, #tpu.memory_space<vmem_shared>> -> memref<1949696xf32, #tpu.memory_space<vmem_shared>>
    tpu.enqueue_indirect_dma source(%arg14 : memref<1024xf32, #tpu.memory_space<vmem>>) target(%dma_start3A_172 : memref<1949696xf32, #tpu.memory_space<vmem_shared>>) offsets(%arg11 : memref<1024xi32, #tpu.memory_space<vmem>>) semaphore(%arg28 : memref<!tpu.dma_semaphore, #tpu.memory_space<semaphore_mem>>) {add = true}
    %dma_wait3A_173 = arith.constant 0 : i32
    %dma_wait3A_174 = tpu.memref_slice %arg15[%dma_wait3A_173] : memref<1949696xf32, #tpu.memory_space<vmem_shared>> -> memref<1949696xf32, #tpu.memory_space<vmem_shared>>
    tpu.wait_indirect_dma semaphore(%arg27 : memref<!tpu.dma_semaphore, #tpu.memory_space<semaphore_mem>>) src(%arg14 : memref<1024xf32, #tpu.memory_space<vmem>>) dst(%dma_wait3A_174 : memref<1949696xf32, #tpu.memory_space<vmem_shared>>)
    %mul3A_175 = arith.constant 32768 : i32
    %mul3A_176 = arith.muli %add3A, %mul3A_175 : i32
    %add3A_177 = arith.constant 17408 : i32
    %add3A_178 = arith.addi %mul3A_176, %add3A_177 : i32
    %dma_start3A_179 = tpu.memref_slice %arg2[%add3A_178] : memref<1048576xi32, #tpu.memory_space<hbm>> -> memref<1024xi32, #tpu.memory_space<hbm>>
    %dma_start3A_180 = tpu.memref_slice %arg2[%add3A_178] : memref<1048576xi32, #tpu.memory_space<hbm>> -> memref<1024xi32, #tpu.memory_space<hbm>>
    tpu.enqueue_dma source(%dma_start3A_180 : memref<1024xi32, #tpu.memory_space<hbm>>) target(%arg10 : memref<1024xi32, #tpu.memory_space<vmem>>) target_semaphore(%arg20 : memref<!tpu.dma_semaphore, #tpu.memory_space<semaphore_mem>>)
    %dma_wait3A_181 = tpu.memref_slice %arg2[%add3A_118] : memref<1048576xi32, #tpu.memory_space<hbm>> -> memref<1024xi32, #tpu.memory_space<hbm>>
    %dma_wait3A_182 = tpu.memref_slice %arg2[%add3A_118] : memref<1048576xi32, #tpu.memory_space<hbm>> -> memref<1024xi32, #tpu.memory_space<hbm>>
    tpu.wait_dma2 semaphore(%arg22 : memref<!tpu.dma_semaphore, #tpu.memory_space<semaphore_mem>>) src(%dma_wait3A_182 : memref<1024xi32, #tpu.memory_space<hbm>>) dst(%arg12 : memref<1024xi32, #tpu.memory_space<vmem>>)
    %dma_start3A_183 = arith.constant 0 : i32
    %dma_start3A_184 = tpu.memref_slice %arg15[%dma_start3A_183] : memref<1949696xf32, #tpu.memory_space<vmem_shared>> -> memref<1949696xf32, #tpu.memory_space<vmem_shared>>
    tpu.enqueue_indirect_dma source(%arg14 : memref<1024xf32, #tpu.memory_space<vmem>>) target(%dma_start3A_184 : memref<1949696xf32, #tpu.memory_space<vmem_shared>>) offsets(%arg12 : memref<1024xi32, #tpu.memory_space<vmem>>) semaphore(%arg29 : memref<!tpu.dma_semaphore, #tpu.memory_space<semaphore_mem>>) {add = true}
    %dma_wait3A_185 = arith.constant 0 : i32
    %dma_wait3A_186 = tpu.memref_slice %arg15[%dma_wait3A_185] : memref<1949696xf32, #tpu.memory_space<vmem_shared>> -> memref<1949696xf32, #tpu.memory_space<vmem_shared>>
    tpu.wait_indirect_dma semaphore(%arg28 : memref<!tpu.dma_semaphore, #tpu.memory_space<semaphore_mem>>) src(%arg14 : memref<1024xf32, #tpu.memory_space<vmem>>) dst(%dma_wait3A_186 : memref<1949696xf32, #tpu.memory_space<vmem_shared>>)
    %mul3A_187 = arith.constant 32768 : i32
    %mul3A_188 = arith.muli %add3A, %mul3A_187 : i32
    %add3A_189 = arith.constant 18432 : i32
    %add3A_190 = arith.addi %mul3A_188, %add3A_189 : i32
    %dma_start3A_191 = tpu.memref_slice %arg2[%add3A_190] : memref<1048576xi32, #tpu.memory_space<hbm>> -> memref<1024xi32, #tpu.memory_space<hbm>>
    %dma_start3A_192 = tpu.memref_slice %arg2[%add3A_190] : memref<1048576xi32, #tpu.memory_space<hbm>> -> memref<1024xi32, #tpu.memory_space<hbm>>
    tpu.enqueue_dma source(%dma_start3A_192 : memref<1024xi32, #tpu.memory_space<hbm>>) target(%arg11 : memref<1024xi32, #tpu.memory_space<vmem>>) target_semaphore(%arg21 : memref<!tpu.dma_semaphore, #tpu.memory_space<semaphore_mem>>)
    %dma_wait3A_193 = tpu.memref_slice %arg2[%add3A_130] : memref<1048576xi32, #tpu.memory_space<hbm>> -> memref<1024xi32, #tpu.memory_space<hbm>>
    %dma_wait3A_194 = tpu.memref_slice %arg2[%add3A_130] : memref<1048576xi32, #tpu.memory_space<hbm>> -> memref<1024xi32, #tpu.memory_space<hbm>>
    tpu.wait_dma2 semaphore(%arg23 : memref<!tpu.dma_semaphore, #tpu.memory_space<semaphore_mem>>) src(%dma_wait3A_194 : memref<1024xi32, #tpu.memory_space<hbm>>) dst(%arg13 : memref<1024xi32, #tpu.memory_space<vmem>>)
    %dma_start3A_195 = arith.constant 0 : i32
    %dma_start3A_196 = tpu.memref_slice %arg15[%dma_start3A_195] : memref<1949696xf32, #tpu.memory_space<vmem_shared>> -> memref<1949696xf32, #tpu.memory_space<vmem_shared>>
    tpu.enqueue_indirect_dma source(%arg14 : memref<1024xf32, #tpu.memory_space<vmem>>) target(%dma_start3A_196 : memref<1949696xf32, #tpu.memory_space<vmem_shared>>) offsets(%arg13 : memref<1024xi32, #tpu.memory_space<vmem>>) semaphore(%arg30 : memref<!tpu.dma_semaphore, #tpu.memory_space<semaphore_mem>>) {add = true}
    %dma_wait3A_197 = arith.constant 0 : i32
    %dma_wait3A_198 = tpu.memref_slice %arg15[%dma_wait3A_197] : memref<1949696xf32, #tpu.memory_space<vmem_shared>> -> memref<1949696xf32, #tpu.memory_space<vmem_shared>>
    tpu.wait_indirect_dma semaphore(%arg29 : memref<!tpu.dma_semaphore, #tpu.memory_space<semaphore_mem>>) src(%arg14 : memref<1024xf32, #tpu.memory_space<vmem>>) dst(%dma_wait3A_198 : memref<1949696xf32, #tpu.memory_space<vmem_shared>>)
    %mul3A_199 = arith.constant 32768 : i32
    %mul3A_200 = arith.muli %add3A, %mul3A_199 : i32
    %add3A_201 = arith.constant 19456 : i32
    %add3A_202 = arith.addi %mul3A_200, %add3A_201 : i32
    %dma_start3A_203 = tpu.memref_slice %arg2[%add3A_202] : memref<1048576xi32, #tpu.memory_space<hbm>> -> memref<1024xi32, #tpu.memory_space<hbm>>
    %dma_start3A_204 = tpu.memref_slice %arg2[%add3A_202] : memref<1048576xi32, #tpu.memory_space<hbm>> -> memref<1024xi32, #tpu.memory_space<hbm>>
    tpu.enqueue_dma source(%dma_start3A_204 : memref<1024xi32, #tpu.memory_space<hbm>>) target(%arg12 : memref<1024xi32, #tpu.memory_space<vmem>>) target_semaphore(%arg22 : memref<!tpu.dma_semaphore, #tpu.memory_space<semaphore_mem>>)
    %dma_wait3A_205 = tpu.memref_slice %arg2[%add3A_142] : memref<1048576xi32, #tpu.memory_space<hbm>> -> memref<1024xi32, #tpu.memory_space<hbm>>
    %dma_wait3A_206 = tpu.memref_slice %arg2[%add3A_142] : memref<1048576xi32, #tpu.memory_space<hbm>> -> memref<1024xi32, #tpu.memory_space<hbm>>
    tpu.wait_dma2 semaphore(%arg17 : memref<!tpu.dma_semaphore, #tpu.memory_space<semaphore_mem>>) src(%dma_wait3A_206 : memref<1024xi32, #tpu.memory_space<hbm>>) dst(%arg7 : memref<1024xi32, #tpu.memory_space<vmem>>)
    %dma_start3A_207 = arith.constant 0 : i32
    %dma_start3A_208 = tpu.memref_slice %arg15[%dma_start3A_207] : memref<1949696xf32, #tpu.memory_space<vmem_shared>> -> memref<1949696xf32, #tpu.memory_space<vmem_shared>>
    tpu.enqueue_indirect_dma source(%arg14 : memref<1024xf32, #tpu.memory_space<vmem>>) target(%dma_start3A_208 : memref<1949696xf32, #tpu.memory_space<vmem_shared>>) offsets(%arg7 : memref<1024xi32, #tpu.memory_space<vmem>>) semaphore(%arg24 : memref<!tpu.dma_semaphore, #tpu.memory_space<semaphore_mem>>) {add = true}
    %dma_wait3A_209 = arith.constant 0 : i32
    %dma_wait3A_210 = tpu.memref_slice %arg15[%dma_wait3A_209] : memref<1949696xf32, #tpu.memory_space<vmem_shared>> -> memref<1949696xf32, #tpu.memory_space<vmem_shared>>
    tpu.wait_indirect_dma semaphore(%arg30 : memref<!tpu.dma_semaphore, #tpu.memory_space<semaphore_mem>>) src(%arg14 : memref<1024xf32, #tpu.memory_space<vmem>>) dst(%dma_wait3A_210 : memref<1949696xf32, #tpu.memory_space<vmem_shared>>)
    %mul3A_211 = arith.constant 32768 : i32
    %mul3A_212 = arith.muli %add3A, %mul3A_211 : i32
    %add3A_213 = arith.constant 20480 : i32
    %add3A_214 = arith.addi %mul3A_212, %add3A_213 : i32
    %dma_start3A_215 = tpu.memref_slice %arg2[%add3A_214] : memref<1048576xi32, #tpu.memory_space<hbm>> -> memref<1024xi32, #tpu.memory_space<hbm>>
    %dma_start3A_216 = tpu.memref_slice %arg2[%add3A_214] : memref<1048576xi32, #tpu.memory_space<hbm>> -> memref<1024xi32, #tpu.memory_space<hbm>>
    tpu.enqueue_dma source(%dma_start3A_216 : memref<1024xi32, #tpu.memory_space<hbm>>) target(%arg13 : memref<1024xi32, #tpu.memory_space<vmem>>) target_semaphore(%arg23 : memref<!tpu.dma_semaphore, #tpu.memory_space<semaphore_mem>>)
    %dma_wait3A_217 = tpu.memref_slice %arg2[%add3A_154] : memref<1048576xi32, #tpu.memory_space<hbm>> -> memref<1024xi32, #tpu.memory_space<hbm>>
    %dma_wait3A_218 = tpu.memref_slice %arg2[%add3A_154] : memref<1048576xi32, #tpu.memory_space<hbm>> -> memref<1024xi32, #tpu.memory_space<hbm>>
    tpu.wait_dma2 semaphore(%arg18 : memref<!tpu.dma_semaphore, #tpu.memory_space<semaphore_mem>>) src(%dma_wait3A_218 : memref<1024xi32, #tpu.memory_space<hbm>>) dst(%arg8 : memref<1024xi32, #tpu.memory_space<vmem>>)
    %dma_start3A_219 = arith.constant 0 : i32
    %dma_start3A_220 = tpu.memref_slice %arg15[%dma_start3A_219] : memref<1949696xf32, #tpu.memory_space<vmem_shared>> -> memref<1949696xf32, #tpu.memory_space<vmem_shared>>
    tpu.enqueue_indirect_dma source(%arg14 : memref<1024xf32, #tpu.memory_space<vmem>>) target(%dma_start3A_220 : memref<1949696xf32, #tpu.memory_space<vmem_shared>>) offsets(%arg8 : memref<1024xi32, #tpu.memory_space<vmem>>) semaphore(%arg25 : memref<!tpu.dma_semaphore, #tpu.memory_space<semaphore_mem>>) {add = true}
    %dma_wait3A_221 = arith.constant 0 : i32
    %dma_wait3A_222 = tpu.memref_slice %arg15[%dma_wait3A_221] : memref<1949696xf32, #tpu.memory_space<vmem_shared>> -> memref<1949696xf32, #tpu.memory_space<vmem_shared>>
    tpu.wait_indirect_dma semaphore(%arg24 : memref<!tpu.dma_semaphore, #tpu.memory_space<semaphore_mem>>) src(%arg14 : memref<1024xf32, #tpu.memory_space<vmem>>) dst(%dma_wait3A_222 : memref<1949696xf32, #tpu.memory_space<vmem_shared>>)
    %mul3A_223 = arith.constant 32768 : i32
    %mul3A_224 = arith.muli %add3A, %mul3A_223 : i32
    %add3A_225 = arith.constant 21504 : i32
    %add3A_226 = arith.addi %mul3A_224, %add3A_225 : i32
    %dma_start3A_227 = tpu.memref_slice %arg2[%add3A_226] : memref<1048576xi32, #tpu.memory_space<hbm>> -> memref<1024xi32, #tpu.memory_space<hbm>>
    %dma_start3A_228 = tpu.memref_slice %arg2[%add3A_226] : memref<1048576xi32, #tpu.memory_space<hbm>> -> memref<1024xi32, #tpu.memory_space<hbm>>
    tpu.enqueue_dma source(%dma_start3A_228 : memref<1024xi32, #tpu.memory_space<hbm>>) target(%arg7 : memref<1024xi32, #tpu.memory_space<vmem>>) target_semaphore(%arg17 : memref<!tpu.dma_semaphore, #tpu.memory_space<semaphore_mem>>)
    %dma_wait3A_229 = tpu.memref_slice %arg2[%add3A_166] : memref<1048576xi32, #tpu.memory_space<hbm>> -> memref<1024xi32, #tpu.memory_space<hbm>>
    %dma_wait3A_230 = tpu.memref_slice %arg2[%add3A_166] : memref<1048576xi32, #tpu.memory_space<hbm>> -> memref<1024xi32, #tpu.memory_space<hbm>>
    tpu.wait_dma2 semaphore(%arg19 : memref<!tpu.dma_semaphore, #tpu.memory_space<semaphore_mem>>) src(%dma_wait3A_230 : memref<1024xi32, #tpu.memory_space<hbm>>) dst(%arg9 : memref<1024xi32, #tpu.memory_space<vmem>>)
    %dma_start3A_231 = arith.constant 0 : i32
    %dma_start3A_232 = tpu.memref_slice %arg15[%dma_start3A_231] : memref<1949696xf32, #tpu.memory_space<vmem_shared>> -> memref<1949696xf32, #tpu.memory_space<vmem_shared>>
    tpu.enqueue_indirect_dma source(%arg14 : memref<1024xf32, #tpu.memory_space<vmem>>) target(%dma_start3A_232 : memref<1949696xf32, #tpu.memory_space<vmem_shared>>) offsets(%arg9 : memref<1024xi32, #tpu.memory_space<vmem>>) semaphore(%arg26 : memref<!tpu.dma_semaphore, #tpu.memory_space<semaphore_mem>>) {add = true}
    %dma_wait3A_233 = arith.constant 0 : i32
    %dma_wait3A_234 = tpu.memref_slice %arg15[%dma_wait3A_233] : memref<1949696xf32, #tpu.memory_space<vmem_shared>> -> memref<1949696xf32, #tpu.memory_space<vmem_shared>>
    tpu.wait_indirect_dma semaphore(%arg25 : memref<!tpu.dma_semaphore, #tpu.memory_space<semaphore_mem>>) src(%arg14 : memref<1024xf32, #tpu.memory_space<vmem>>) dst(%dma_wait3A_234 : memref<1949696xf32, #tpu.memory_space<vmem_shared>>)
    %mul3A_235 = arith.constant 32768 : i32
    %mul3A_236 = arith.muli %add3A, %mul3A_235 : i32
    %add3A_237 = arith.constant 22528 : i32
    %add3A_238 = arith.addi %mul3A_236, %add3A_237 : i32
    %dma_start3A_239 = tpu.memref_slice %arg2[%add3A_238] : memref<1048576xi32, #tpu.memory_space<hbm>> -> memref<1024xi32, #tpu.memory_space<hbm>>
    %dma_start3A_240 = tpu.memref_slice %arg2[%add3A_238] : memref<1048576xi32, #tpu.memory_space<hbm>> -> memref<1024xi32, #tpu.memory_space<hbm>>
    tpu.enqueue_dma source(%dma_start3A_240 : memref<1024xi32, #tpu.memory_space<hbm>>) target(%arg8 : memref<1024xi32, #tpu.memory_space<vmem>>) target_semaphore(%arg18 : memref<!tpu.dma_semaphore, #tpu.memory_space<semaphore_mem>>)
    %dma_wait3A_241 = tpu.memref_slice %arg2[%add3A_178] : memref<1048576xi32, #tpu.memory_space<hbm>> -> memref<1024xi32, #tpu.memory_space<hbm>>
    %dma_wait3A_242 = tpu.memref_slice %arg2[%add3A_178] : memref<1048576xi32, #tpu.memory_space<hbm>> -> memref<1024xi32, #tpu.memory_space<hbm>>
    tpu.wait_dma2 semaphore(%arg20 : memref<!tpu.dma_semaphore, #tpu.memory_space<semaphore_mem>>) src(%dma_wait3A_242 : memref<1024xi32, #tpu.memory_space<hbm>>) dst(%arg10 : memref<1024xi32, #tpu.memory_space<vmem>>)
    %dma_start3A_243 = arith.constant 0 : i32
    %dma_start3A_244 = tpu.memref_slice %arg15[%dma_start3A_243] : memref<1949696xf32, #tpu.memory_space<vmem_shared>> -> memref<1949696xf32, #tpu.memory_space<vmem_shared>>
    tpu.enqueue_indirect_dma source(%arg14 : memref<1024xf32, #tpu.memory_space<vmem>>) target(%dma_start3A_244 : memref<1949696xf32, #tpu.memory_space<vmem_shared>>) offsets(%arg10 : memref<1024xi32, #tpu.memory_space<vmem>>) semaphore(%arg27 : memref<!tpu.dma_semaphore, #tpu.memory_space<semaphore_mem>>) {add = true}
    %dma_wait3A_245 = arith.constant 0 : i32
    %dma_wait3A_246 = tpu.memref_slice %arg15[%dma_wait3A_245] : memref<1949696xf32, #tpu.memory_space<vmem_shared>> -> memref<1949696xf32, #tpu.memory_space<vmem_shared>>
    tpu.wait_indirect_dma semaphore(%arg26 : memref<!tpu.dma_semaphore, #tpu.memory_space<semaphore_mem>>) src(%arg14 : memref<1024xf32, #tpu.memory_space<vmem>>) dst(%dma_wait3A_246 : memref<1949696xf32, #tpu.memory_space<vmem_shared>>)
    %mul3A_247 = arith.constant 32768 : i32
    %mul3A_248 = arith.muli %add3A, %mul3A_247 : i32
    %add3A_249 = arith.constant 23552 : i32
    %add3A_250 = arith.addi %mul3A_248, %add3A_249 : i32
    %dma_start3A_251 = tpu.memref_slice %arg2[%add3A_250] : memref<1048576xi32, #tpu.memory_space<hbm>> -> memref<1024xi32, #tpu.memory_space<hbm>>
    %dma_start3A_252 = tpu.memref_slice %arg2[%add3A_250] : memref<1048576xi32, #tpu.memory_space<hbm>> -> memref<1024xi32, #tpu.memory_space<hbm>>
    tpu.enqueue_dma source(%dma_start3A_252 : memref<1024xi32, #tpu.memory_space<hbm>>) target(%arg9 : memref<1024xi32, #tpu.memory_space<vmem>>) target_semaphore(%arg19 : memref<!tpu.dma_semaphore, #tpu.memory_space<semaphore_mem>>)
    %dma_wait3A_253 = tpu.memref_slice %arg2[%add3A_190] : memref<1048576xi32, #tpu.memory_space<hbm>> -> memref<1024xi32, #tpu.memory_space<hbm>>
    %dma_wait3A_254 = tpu.memref_slice %arg2[%add3A_190] : memref<1048576xi32, #tpu.memory_space<hbm>> -> memref<1024xi32, #tpu.memory_space<hbm>>
    tpu.wait_dma2 semaphore(%arg21 : memref<!tpu.dma_semaphore, #tpu.memory_space<semaphore_mem>>) src(%dma_wait3A_254 : memref<1024xi32, #tpu.memory_space<hbm>>) dst(%arg11 : memref<1024xi32, #tpu.memory_space<vmem>>)
    %dma_start3A_255 = arith.constant 0 : i32
    %dma_start3A_256 = tpu.memref_slice %arg15[%dma_start3A_255] : memref<1949696xf32, #tpu.memory_space<vmem_shared>> -> memref<1949696xf32, #tpu.memory_space<vmem_shared>>
    tpu.enqueue_indirect_dma source(%arg14 : memref<1024xf32, #tpu.memory_space<vmem>>) target(%dma_start3A_256 : memref<1949696xf32, #tpu.memory_space<vmem_shared>>) offsets(%arg11 : memref<1024xi32, #tpu.memory_space<vmem>>) semaphore(%arg28 : memref<!tpu.dma_semaphore, #tpu.memory_space<semaphore_mem>>) {add = true}
    %dma_wait3A_257 = arith.constant 0 : i32
    %dma_wait3A_258 = tpu.memref_slice %arg15[%dma_wait3A_257] : memref<1949696xf32, #tpu.memory_space<vmem_shared>> -> memref<1949696xf32, #tpu.memory_space<vmem_shared>>
    tpu.wait_indirect_dma semaphore(%arg27 : memref<!tpu.dma_semaphore, #tpu.memory_space<semaphore_mem>>) src(%arg14 : memref<1024xf32, #tpu.memory_space<vmem>>) dst(%dma_wait3A_258 : memref<1949696xf32, #tpu.memory_space<vmem_shared>>)
    %mul3A_259 = arith.constant 32768 : i32
    %mul3A_260 = arith.muli %add3A, %mul3A_259 : i32
    %add3A_261 = arith.constant 24576 : i32
    %add3A_262 = arith.addi %mul3A_260, %add3A_261 : i32
    %dma_start3A_263 = tpu.memref_slice %arg2[%add3A_262] : memref<1048576xi32, #tpu.memory_space<hbm>> -> memref<1024xi32, #tpu.memory_space<hbm>>
    %dma_start3A_264 = tpu.memref_slice %arg2[%add3A_262] : memref<1048576xi32, #tpu.memory_space<hbm>> -> memref<1024xi32, #tpu.memory_space<hbm>>
    tpu.enqueue_dma source(%dma_start3A_264 : memref<1024xi32, #tpu.memory_space<hbm>>) target(%arg10 : memref<1024xi32, #tpu.memory_space<vmem>>) target_semaphore(%arg20 : memref<!tpu.dma_semaphore, #tpu.memory_space<semaphore_mem>>)
    %dma_wait3A_265 = tpu.memref_slice %arg2[%add3A_202] : memref<1048576xi32, #tpu.memory_space<hbm>> -> memref<1024xi32, #tpu.memory_space<hbm>>
    %dma_wait3A_266 = tpu.memref_slice %arg2[%add3A_202] : memref<1048576xi32, #tpu.memory_space<hbm>> -> memref<1024xi32, #tpu.memory_space<hbm>>
    tpu.wait_dma2 semaphore(%arg22 : memref<!tpu.dma_semaphore, #tpu.memory_space<semaphore_mem>>) src(%dma_wait3A_266 : memref<1024xi32, #tpu.memory_space<hbm>>) dst(%arg12 : memref<1024xi32, #tpu.memory_space<vmem>>)
    %dma_start3A_267 = arith.constant 0 : i32
    %dma_start3A_268 = tpu.memref_slice %arg15[%dma_start3A_267] : memref<1949696xf32, #tpu.memory_space<vmem_shared>> -> memref<1949696xf32, #tpu.memory_space<vmem_shared>>
    tpu.enqueue_indirect_dma source(%arg14 : memref<1024xf32, #tpu.memory_space<vmem>>) target(%dma_start3A_268 : memref<1949696xf32, #tpu.memory_space<vmem_shared>>) offsets(%arg12 : memref<1024xi32, #tpu.memory_space<vmem>>) semaphore(%arg29 : memref<!tpu.dma_semaphore, #tpu.memory_space<semaphore_mem>>) {add = true}
    %dma_wait3A_269 = arith.constant 0 : i32
    %dma_wait3A_270 = tpu.memref_slice %arg15[%dma_wait3A_269] : memref<1949696xf32, #tpu.memory_space<vmem_shared>> -> memref<1949696xf32, #tpu.memory_space<vmem_shared>>
    tpu.wait_indirect_dma semaphore(%arg28 : memref<!tpu.dma_semaphore, #tpu.memory_space<semaphore_mem>>) src(%arg14 : memref<1024xf32, #tpu.memory_space<vmem>>) dst(%dma_wait3A_270 : memref<1949696xf32, #tpu.memory_space<vmem_shared>>)
    %mul3A_271 = arith.constant 32768 : i32
    %mul3A_272 = arith.muli %add3A, %mul3A_271 : i32
    %add3A_273 = arith.constant 25600 : i32
    %add3A_274 = arith.addi %mul3A_272, %add3A_273 : i32
    %dma_start3A_275 = tpu.memref_slice %arg2[%add3A_274] : memref<1048576xi32, #tpu.memory_space<hbm>> -> memref<1024xi32, #tpu.memory_space<hbm>>
    %dma_start3A_276 = tpu.memref_slice %arg2[%add3A_274] : memref<1048576xi32, #tpu.memory_space<hbm>> -> memref<1024xi32, #tpu.memory_space<hbm>>
    tpu.enqueue_dma source(%dma_start3A_276 : memref<1024xi32, #tpu.memory_space<hbm>>) target(%arg11 : memref<1024xi32, #tpu.memory_space<vmem>>) target_semaphore(%arg21 : memref<!tpu.dma_semaphore, #tpu.memory_space<semaphore_mem>>)
    %dma_wait3A_277 = tpu.memref_slice %arg2[%add3A_214] : memref<1048576xi32, #tpu.memory_space<hbm>> -> memref<1024xi32, #tpu.memory_space<hbm>>
    %dma_wait3A_278 = tpu.memref_slice %arg2[%add3A_214] : memref<1048576xi32, #tpu.memory_space<hbm>> -> memref<1024xi32, #tpu.memory_space<hbm>>
    tpu.wait_dma2 semaphore(%arg23 : memref<!tpu.dma_semaphore, #tpu.memory_space<semaphore_mem>>) src(%dma_wait3A_278 : memref<1024xi32, #tpu.memory_space<hbm>>) dst(%arg13 : memref<1024xi32, #tpu.memory_space<vmem>>)
    %dma_start3A_279 = arith.constant 0 : i32
    %dma_start3A_280 = tpu.memref_slice %arg15[%dma_start3A_279] : memref<1949696xf32, #tpu.memory_space<vmem_shared>> -> memref<1949696xf32, #tpu.memory_space<vmem_shared>>
    tpu.enqueue_indirect_dma source(%arg14 : memref<1024xf32, #tpu.memory_space<vmem>>) target(%dma_start3A_280 : memref<1949696xf32, #tpu.memory_space<vmem_shared>>) offsets(%arg13 : memref<1024xi32, #tpu.memory_space<vmem>>) semaphore(%arg30 : memref<!tpu.dma_semaphore, #tpu.memory_space<semaphore_mem>>) {add = true}
    %dma_wait3A_281 = arith.constant 0 : i32
    %dma_wait3A_282 = tpu.memref_slice %arg15[%dma_wait3A_281] : memref<1949696xf32, #tpu.memory_space<vmem_shared>> -> memref<1949696xf32, #tpu.memory_space<vmem_shared>>
    tpu.wait_indirect_dma semaphore(%arg29 : memref<!tpu.dma_semaphore, #tpu.memory_space<semaphore_mem>>) src(%arg14 : memref<1024xf32, #tpu.memory_space<vmem>>) dst(%dma_wait3A_282 : memref<1949696xf32, #tpu.memory_space<vmem_shared>>)
    %mul3A_283 = arith.constant 32768 : i32
    %mul3A_284 = arith.muli %add3A, %mul3A_283 : i32
    %add3A_285 = arith.constant 26624 : i32
    %add3A_286 = arith.addi %mul3A_284, %add3A_285 : i32
    %dma_start3A_287 = tpu.memref_slice %arg2[%add3A_286] : memref<1048576xi32, #tpu.memory_space<hbm>> -> memref<1024xi32, #tpu.memory_space<hbm>>
    %dma_start3A_288 = tpu.memref_slice %arg2[%add3A_286] : memref<1048576xi32, #tpu.memory_space<hbm>> -> memref<1024xi32, #tpu.memory_space<hbm>>
    tpu.enqueue_dma source(%dma_start3A_288 : memref<1024xi32, #tpu.memory_space<hbm>>) target(%arg12 : memref<1024xi32, #tpu.memory_space<vmem>>) target_semaphore(%arg22 : memref<!tpu.dma_semaphore, #tpu.memory_space<semaphore_mem>>)
    %dma_wait3A_289 = tpu.memref_slice %arg2[%add3A_226] : memref<1048576xi32, #tpu.memory_space<hbm>> -> memref<1024xi32, #tpu.memory_space<hbm>>
    %dma_wait3A_290 = tpu.memref_slice %arg2[%add3A_226] : memref<1048576xi32, #tpu.memory_space<hbm>> -> memref<1024xi32, #tpu.memory_space<hbm>>
    tpu.wait_dma2 semaphore(%arg17 : memref<!tpu.dma_semaphore, #tpu.memory_space<semaphore_mem>>) src(%dma_wait3A_290 : memref<1024xi32, #tpu.memory_space<hbm>>) dst(%arg7 : memref<1024xi32, #tpu.memory_space<vmem>>)
    %dma_start3A_291 = arith.constant 0 : i32
    %dma_start3A_292 = tpu.memref_slice %arg15[%dma_start3A_291] : memref<1949696xf32, #tpu.memory_space<vmem_shared>> -> memref<1949696xf32, #tpu.memory_space<vmem_shared>>
    tpu.enqueue_indirect_dma source(%arg14 : memref<1024xf32, #tpu.memory_space<vmem>>) target(%dma_start3A_292 : memref<1949696xf32, #tpu.memory_space<vmem_shared>>) offsets(%arg7 : memref<1024xi32, #tpu.memory_space<vmem>>) semaphore(%arg24 : memref<!tpu.dma_semaphore, #tpu.memory_space<semaphore_mem>>) {add = true}
    %dma_wait3A_293 = arith.constant 0 : i32
    %dma_wait3A_294 = tpu.memref_slice %arg15[%dma_wait3A_293] : memref<1949696xf32, #tpu.memory_space<vmem_shared>> -> memref<1949696xf32, #tpu.memory_space<vmem_shared>>
    tpu.wait_indirect_dma semaphore(%arg30 : memref<!tpu.dma_semaphore, #tpu.memory_space<semaphore_mem>>) src(%arg14 : memref<1024xf32, #tpu.memory_space<vmem>>) dst(%dma_wait3A_294 : memref<1949696xf32, #tpu.memory_space<vmem_shared>>)
    %mul3A_295 = arith.constant 32768 : i32
    %mul3A_296 = arith.muli %add3A, %mul3A_295 : i32
    %add3A_297 = arith.constant 27648 : i32
    %add3A_298 = arith.addi %mul3A_296, %add3A_297 : i32
    %dma_start3A_299 = tpu.memref_slice %arg2[%add3A_298] : memref<1048576xi32, #tpu.memory_space<hbm>> -> memref<1024xi32, #tpu.memory_space<hbm>>
    %dma_start3A_300 = tpu.memref_slice %arg2[%add3A_298] : memref<1048576xi32, #tpu.memory_space<hbm>> -> memref<1024xi32, #tpu.memory_space<hbm>>
    tpu.enqueue_dma source(%dma_start3A_300 : memref<1024xi32, #tpu.memory_space<hbm>>) target(%arg13 : memref<1024xi32, #tpu.memory_space<vmem>>) target_semaphore(%arg23 : memref<!tpu.dma_semaphore, #tpu.memory_space<semaphore_mem>>)
    %dma_wait3A_301 = tpu.memref_slice %arg2[%add3A_238] : memref<1048576xi32, #tpu.memory_space<hbm>> -> memref<1024xi32, #tpu.memory_space<hbm>>
    %dma_wait3A_302 = tpu.memref_slice %arg2[%add3A_238] : memref<1048576xi32, #tpu.memory_space<hbm>> -> memref<1024xi32, #tpu.memory_space<hbm>>
    tpu.wait_dma2 semaphore(%arg18 : memref<!tpu.dma_semaphore, #tpu.memory_space<semaphore_mem>>) src(%dma_wait3A_302 : memref<1024xi32, #tpu.memory_space<hbm>>) dst(%arg8 : memref<1024xi32, #tpu.memory_space<vmem>>)
    %dma_start3A_303 = arith.constant 0 : i32
    %dma_start3A_304 = tpu.memref_slice %arg15[%dma_start3A_303] : memref<1949696xf32, #tpu.memory_space<vmem_shared>> -> memref<1949696xf32, #tpu.memory_space<vmem_shared>>
    tpu.enqueue_indirect_dma source(%arg14 : memref<1024xf32, #tpu.memory_space<vmem>>) target(%dma_start3A_304 : memref<1949696xf32, #tpu.memory_space<vmem_shared>>) offsets(%arg8 : memref<1024xi32, #tpu.memory_space<vmem>>) semaphore(%arg25 : memref<!tpu.dma_semaphore, #tpu.memory_space<semaphore_mem>>) {add = true}
    %dma_wait3A_305 = arith.constant 0 : i32
    %dma_wait3A_306 = tpu.memref_slice %arg15[%dma_wait3A_305] : memref<1949696xf32, #tpu.memory_space<vmem_shared>> -> memref<1949696xf32, #tpu.memory_space<vmem_shared>>
    tpu.wait_indirect_dma semaphore(%arg24 : memref<!tpu.dma_semaphore, #tpu.memory_space<semaphore_mem>>) src(%arg14 : memref<1024xf32, #tpu.memory_space<vmem>>) dst(%dma_wait3A_306 : memref<1949696xf32, #tpu.memory_space<vmem_shared>>)
    %mul3A_307 = arith.constant 32768 : i32
    %mul3A_308 = arith.muli %add3A, %mul3A_307 : i32
    %add3A_309 = arith.constant 28672 : i32
    %add3A_310 = arith.addi %mul3A_308, %add3A_309 : i32
    %dma_start3A_311 = tpu.memref_slice %arg2[%add3A_310] : memref<1048576xi32, #tpu.memory_space<hbm>> -> memref<1024xi32, #tpu.memory_space<hbm>>
    %dma_start3A_312 = tpu.memref_slice %arg2[%add3A_310] : memref<1048576xi32, #tpu.memory_space<hbm>> -> memref<1024xi32, #tpu.memory_space<hbm>>
    tpu.enqueue_dma source(%dma_start3A_312 : memref<1024xi32, #tpu.memory_space<hbm>>) target(%arg7 : memref<1024xi32, #tpu.memory_space<vmem>>) target_semaphore(%arg17 : memref<!tpu.dma_semaphore, #tpu.memory_space<semaphore_mem>>)
    %dma_wait3A_313 = tpu.memref_slice %arg2[%add3A_250] : memref<1048576xi32, #tpu.memory_space<hbm>> -> memref<1024xi32, #tpu.memory_space<hbm>>
    %dma_wait3A_314 = tpu.memref_slice %arg2[%add3A_250] : memref<1048576xi32, #tpu.memory_space<hbm>> -> memref<1024xi32, #tpu.memory_space<hbm>>
    tpu.wait_dma2 semaphore(%arg19 : memref<!tpu.dma_semaphore, #tpu.memory_space<semaphore_mem>>) src(%dma_wait3A_314 : memref<1024xi32, #tpu.memory_space<hbm>>) dst(%arg9 : memref<1024xi32, #tpu.memory_space<vmem>>)
    %dma_start3A_315 = arith.constant 0 : i32
    %dma_start3A_316 = tpu.memref_slice %arg15[%dma_start3A_315] : memref<1949696xf32, #tpu.memory_space<vmem_shared>> -> memref<1949696xf32, #tpu.memory_space<vmem_shared>>
    tpu.enqueue_indirect_dma source(%arg14 : memref<1024xf32, #tpu.memory_space<vmem>>) target(%dma_start3A_316 : memref<1949696xf32, #tpu.memory_space<vmem_shared>>) offsets(%arg9 : memref<1024xi32, #tpu.memory_space<vmem>>) semaphore(%arg26 : memref<!tpu.dma_semaphore, #tpu.memory_space<semaphore_mem>>) {add = true}
    %dma_wait3A_317 = arith.constant 0 : i32
    %dma_wait3A_318 = tpu.memref_slice %arg15[%dma_wait3A_317] : memref<1949696xf32, #tpu.memory_space<vmem_shared>> -> memref<1949696xf32, #tpu.memory_space<vmem_shared>>
    tpu.wait_indirect_dma semaphore(%arg25 : memref<!tpu.dma_semaphore, #tpu.memory_space<semaphore_mem>>) src(%arg14 : memref<1024xf32, #tpu.memory_space<vmem>>) dst(%dma_wait3A_318 : memref<1949696xf32, #tpu.memory_space<vmem_shared>>)
    %mul3A_319 = arith.constant 32768 : i32
    %mul3A_320 = arith.muli %add3A, %mul3A_319 : i32
    %add3A_321 = arith.constant 29696 : i32
    %add3A_322 = arith.addi %mul3A_320, %add3A_321 : i32
    %dma_start3A_323 = tpu.memref_slice %arg2[%add3A_322] : memref<1048576xi32, #tpu.memory_space<hbm>> -> memref<1024xi32, #tpu.memory_space<hbm>>
    %dma_start3A_324 = tpu.memref_slice %arg2[%add3A_322] : memref<1048576xi32, #tpu.memory_space<hbm>> -> memref<1024xi32, #tpu.memory_space<hbm>>
    tpu.enqueue_dma source(%dma_start3A_324 : memref<1024xi32, #tpu.memory_space<hbm>>) target(%arg8 : memref<1024xi32, #tpu.memory_space<vmem>>) target_semaphore(%arg18 : memref<!tpu.dma_semaphore, #tpu.memory_space<semaphore_mem>>)
    %dma_wait3A_325 = tpu.memref_slice %arg2[%add3A_262] : memref<1048576xi32, #tpu.memory_space<hbm>> -> memref<1024xi32, #tpu.memory_space<hbm>>
    %dma_wait3A_326 = tpu.memref_slice %arg2[%add3A_262] : memref<1048576xi32, #tpu.memory_space<hbm>> -> memref<1024xi32, #tpu.memory_space<hbm>>
    tpu.wait_dma2 semaphore(%arg20 : memref<!tpu.dma_semaphore, #tpu.memory_space<semaphore_mem>>) src(%dma_wait3A_326 : memref<1024xi32, #tpu.memory_space<hbm>>) dst(%arg10 : memref<1024xi32, #tpu.memory_space<vmem>>)
    %dma_start3A_327 = arith.constant 0 : i32
    %dma_start3A_328 = tpu.memref_slice %arg15[%dma_start3A_327] : memref<1949696xf32, #tpu.memory_space<vmem_shared>> -> memref<1949696xf32, #tpu.memory_space<vmem_shared>>
    tpu.enqueue_indirect_dma source(%arg14 : memref<1024xf32, #tpu.memory_space<vmem>>) target(%dma_start3A_328 : memref<1949696xf32, #tpu.memory_space<vmem_shared>>) offsets(%arg10 : memref<1024xi32, #tpu.memory_space<vmem>>) semaphore(%arg27 : memref<!tpu.dma_semaphore, #tpu.memory_space<semaphore_mem>>) {add = true}
    %dma_wait3A_329 = arith.constant 0 : i32
    %dma_wait3A_330 = tpu.memref_slice %arg15[%dma_wait3A_329] : memref<1949696xf32, #tpu.memory_space<vmem_shared>> -> memref<1949696xf32, #tpu.memory_space<vmem_shared>>
    tpu.wait_indirect_dma semaphore(%arg26 : memref<!tpu.dma_semaphore, #tpu.memory_space<semaphore_mem>>) src(%arg14 : memref<1024xf32, #tpu.memory_space<vmem>>) dst(%dma_wait3A_330 : memref<1949696xf32, #tpu.memory_space<vmem_shared>>)
    %mul3A_331 = arith.constant 32768 : i32
    %mul3A_332 = arith.muli %add3A, %mul3A_331 : i32
    %add3A_333 = arith.constant 30720 : i32
    %add3A_334 = arith.addi %mul3A_332, %add3A_333 : i32
    %dma_start3A_335 = tpu.memref_slice %arg2[%add3A_334] : memref<1048576xi32, #tpu.memory_space<hbm>> -> memref<1024xi32, #tpu.memory_space<hbm>>
    %dma_start3A_336 = tpu.memref_slice %arg2[%add3A_334] : memref<1048576xi32, #tpu.memory_space<hbm>> -> memref<1024xi32, #tpu.memory_space<hbm>>
    tpu.enqueue_dma source(%dma_start3A_336 : memref<1024xi32, #tpu.memory_space<hbm>>) target(%arg9 : memref<1024xi32, #tpu.memory_space<vmem>>) target_semaphore(%arg19 : memref<!tpu.dma_semaphore, #tpu.memory_space<semaphore_mem>>)
    %dma_wait3A_337 = tpu.memref_slice %arg2[%add3A_274] : memref<1048576xi32, #tpu.memory_space<hbm>> -> memref<1024xi32, #tpu.memory_space<hbm>>
    %dma_wait3A_338 = tpu.memref_slice %arg2[%add3A_274] : memref<1048576xi32, #tpu.memory_space<hbm>> -> memref<1024xi32, #tpu.memory_space<hbm>>
    tpu.wait_dma2 semaphore(%arg21 : memref<!tpu.dma_semaphore, #tpu.memory_space<semaphore_mem>>) src(%dma_wait3A_338 : memref<1024xi32, #tpu.memory_space<hbm>>) dst(%arg11 : memref<1024xi32, #tpu.memory_space<vmem>>)
    %dma_start3A_339 = arith.constant 0 : i32
    %dma_start3A_340 = tpu.memref_slice %arg15[%dma_start3A_339] : memref<1949696xf32, #tpu.memory_space<vmem_shared>> -> memref<1949696xf32, #tpu.memory_space<vmem_shared>>
    tpu.enqueue_indirect_dma source(%arg14 : memref<1024xf32, #tpu.memory_space<vmem>>) target(%dma_start3A_340 : memref<1949696xf32, #tpu.memory_space<vmem_shared>>) offsets(%arg11 : memref<1024xi32, #tpu.memory_space<vmem>>) semaphore(%arg28 : memref<!tpu.dma_semaphore, #tpu.memory_space<semaphore_mem>>) {add = true}
    %dma_wait3A_341 = arith.constant 0 : i32
    %dma_wait3A_342 = tpu.memref_slice %arg15[%dma_wait3A_341] : memref<1949696xf32, #tpu.memory_space<vmem_shared>> -> memref<1949696xf32, #tpu.memory_space<vmem_shared>>
    tpu.wait_indirect_dma semaphore(%arg27 : memref<!tpu.dma_semaphore, #tpu.memory_space<semaphore_mem>>) src(%arg14 : memref<1024xf32, #tpu.memory_space<vmem>>) dst(%dma_wait3A_342 : memref<1949696xf32, #tpu.memory_space<vmem_shared>>)
    %mul3A_343 = arith.constant 32768 : i32
    %mul3A_344 = arith.muli %add3A, %mul3A_343 : i32
    %add3A_345 = arith.constant 31744 : i32
    %add3A_346 = arith.addi %mul3A_344, %add3A_345 : i32
    %dma_start3A_347 = tpu.memref_slice %arg2[%add3A_346] : memref<1048576xi32, #tpu.memory_space<hbm>> -> memref<1024xi32, #tpu.memory_space<hbm>>
    %dma_start3A_348 = tpu.memref_slice %arg2[%add3A_346] : memref<1048576xi32, #tpu.memory_space<hbm>> -> memref<1024xi32, #tpu.memory_space<hbm>>
    tpu.enqueue_dma source(%dma_start3A_348 : memref<1024xi32, #tpu.memory_space<hbm>>) target(%arg10 : memref<1024xi32, #tpu.memory_space<vmem>>) target_semaphore(%arg20 : memref<!tpu.dma_semaphore, #tpu.memory_space<semaphore_mem>>)
    %dma_wait3A_349 = tpu.memref_slice %arg2[%add3A_286] : memref<1048576xi32, #tpu.memory_space<hbm>> -> memref<1024xi32, #tpu.memory_space<hbm>>
    %dma_wait3A_350 = tpu.memref_slice %arg2[%add3A_286] : memref<1048576xi32, #tpu.memory_space<hbm>> -> memref<1024xi32, #tpu.memory_space<hbm>>
    tpu.wait_dma2 semaphore(%arg22 : memref<!tpu.dma_semaphore, #tpu.memory_space<semaphore_mem>>) src(%dma_wait3A_350 : memref<1024xi32, #tpu.memory_space<hbm>>) dst(%arg12 : memref<1024xi32, #tpu.memory_space<vmem>>)
    %dma_start3A_351 = arith.constant 0 : i32
    %dma_start3A_352 = tpu.memref_slice %arg15[%dma_start3A_351] : memref<1949696xf32, #tpu.memory_space<vmem_shared>> -> memref<1949696xf32, #tpu.memory_space<vmem_shared>>
    tpu.enqueue_indirect_dma source(%arg14 : memref<1024xf32, #tpu.memory_space<vmem>>) target(%dma_start3A_352 : memref<1949696xf32, #tpu.memory_space<vmem_shared>>) offsets(%arg12 : memref<1024xi32, #tpu.memory_space<vmem>>) semaphore(%arg29 : memref<!tpu.dma_semaphore, #tpu.memory_space<semaphore_mem>>) {add = true}
    %dma_wait3A_353 = tpu.memref_slice %arg2[%add3A_298] : memref<1048576xi32, #tpu.memory_space<hbm>> -> memref<1024xi32, #tpu.memory_space<hbm>>
    %dma_wait3A_354 = tpu.memref_slice %arg2[%add3A_298] : memref<1048576xi32, #tpu.memory_space<hbm>> -> memref<1024xi32, #tpu.memory_space<hbm>>
    tpu.wait_dma2 semaphore(%arg23 : memref<!tpu.dma_semaphore, #tpu.memory_space<semaphore_mem>>) src(%dma_wait3A_354 : memref<1024xi32, #tpu.memory_space<hbm>>) dst(%arg13 : memref<1024xi32, #tpu.memory_space<vmem>>)
    %dma_start3A_355 = arith.constant 0 : i32
    %dma_start3A_356 = tpu.memref_slice %arg15[%dma_start3A_355] : memref<1949696xf32, #tpu.memory_space<vmem_shared>> -> memref<1949696xf32, #tpu.memory_space<vmem_shared>>
    tpu.enqueue_indirect_dma source(%arg14 : memref<1024xf32, #tpu.memory_space<vmem>>) target(%dma_start3A_356 : memref<1949696xf32, #tpu.memory_space<vmem_shared>>) offsets(%arg13 : memref<1024xi32, #tpu.memory_space<vmem>>) semaphore(%arg30 : memref<!tpu.dma_semaphore, #tpu.memory_space<semaphore_mem>>) {add = true}
    %dma_wait3A_357 = tpu.memref_slice %arg2[%add3A_310] : memref<1048576xi32, #tpu.memory_space<hbm>> -> memref<1024xi32, #tpu.memory_space<hbm>>
    %dma_wait3A_358 = tpu.memref_slice %arg2[%add3A_310] : memref<1048576xi32, #tpu.memory_space<hbm>> -> memref<1024xi32, #tpu.memory_space<hbm>>
    tpu.wait_dma2 semaphore(%arg17 : memref<!tpu.dma_semaphore, #tpu.memory_space<semaphore_mem>>) src(%dma_wait3A_358 : memref<1024xi32, #tpu.memory_space<hbm>>) dst(%arg7 : memref<1024xi32, #tpu.memory_space<vmem>>)
    %dma_start3A_359 = arith.constant 0 : i32
    %dma_start3A_360 = tpu.memref_slice %arg15[%dma_start3A_359] : memref<1949696xf32, #tpu.memory_space<vmem_shared>> -> memref<1949696xf32, #tpu.memory_space<vmem_shared>>
    tpu.enqueue_indirect_dma source(%arg14 : memref<1024xf32, #tpu.memory_space<vmem>>) target(%dma_start3A_360 : memref<1949696xf32, #tpu.memory_space<vmem_shared>>) offsets(%arg7 : memref<1024xi32, #tpu.memory_space<vmem>>) semaphore(%arg24 : memref<!tpu.dma_semaphore, #tpu.memory_space<semaphore_mem>>) {add = true}
    %dma_wait3A_361 = tpu.memref_slice %arg2[%add3A_322] : memref<1048576xi32, #tpu.memory_space<hbm>> -> memref<1024xi32, #tpu.memory_space<hbm>>
    %dma_wait3A_362 = tpu.memref_slice %arg2[%add3A_322] : memref<1048576xi32, #tpu.memory_space<hbm>> -> memref<1024xi32, #tpu.memory_space<hbm>>
    tpu.wait_dma2 semaphore(%arg18 : memref<!tpu.dma_semaphore, #tpu.memory_space<semaphore_mem>>) src(%dma_wait3A_362 : memref<1024xi32, #tpu.memory_space<hbm>>) dst(%arg8 : memref<1024xi32, #tpu.memory_space<vmem>>)
    %dma_start3A_363 = arith.constant 0 : i32
    %dma_start3A_364 = tpu.memref_slice %arg15[%dma_start3A_363] : memref<1949696xf32, #tpu.memory_space<vmem_shared>> -> memref<1949696xf32, #tpu.memory_space<vmem_shared>>
    tpu.enqueue_indirect_dma source(%arg14 : memref<1024xf32, #tpu.memory_space<vmem>>) target(%dma_start3A_364 : memref<1949696xf32, #tpu.memory_space<vmem_shared>>) offsets(%arg8 : memref<1024xi32, #tpu.memory_space<vmem>>) semaphore(%arg25 : memref<!tpu.dma_semaphore, #tpu.memory_space<semaphore_mem>>) {add = true}
    %dma_wait3A_365 = tpu.memref_slice %arg2[%add3A_334] : memref<1048576xi32, #tpu.memory_space<hbm>> -> memref<1024xi32, #tpu.memory_space<hbm>>
    %dma_wait3A_366 = tpu.memref_slice %arg2[%add3A_334] : memref<1048576xi32, #tpu.memory_space<hbm>> -> memref<1024xi32, #tpu.memory_space<hbm>>
    tpu.wait_dma2 semaphore(%arg19 : memref<!tpu.dma_semaphore, #tpu.memory_space<semaphore_mem>>) src(%dma_wait3A_366 : memref<1024xi32, #tpu.memory_space<hbm>>) dst(%arg9 : memref<1024xi32, #tpu.memory_space<vmem>>)
    %dma_start3A_367 = arith.constant 0 : i32
    %dma_start3A_368 = tpu.memref_slice %arg15[%dma_start3A_367] : memref<1949696xf32, #tpu.memory_space<vmem_shared>> -> memref<1949696xf32, #tpu.memory_space<vmem_shared>>
    tpu.enqueue_indirect_dma source(%arg14 : memref<1024xf32, #tpu.memory_space<vmem>>) target(%dma_start3A_368 : memref<1949696xf32, #tpu.memory_space<vmem_shared>>) offsets(%arg9 : memref<1024xi32, #tpu.memory_space<vmem>>) semaphore(%arg26 : memref<!tpu.dma_semaphore, #tpu.memory_space<semaphore_mem>>) {add = true}
    %dma_wait3A_369 = tpu.memref_slice %arg2[%add3A_346] : memref<1048576xi32, #tpu.memory_space<hbm>> -> memref<1024xi32, #tpu.memory_space<hbm>>
    %dma_wait3A_370 = tpu.memref_slice %arg2[%add3A_346] : memref<1048576xi32, #tpu.memory_space<hbm>> -> memref<1024xi32, #tpu.memory_space<hbm>>
    tpu.wait_dma2 semaphore(%arg20 : memref<!tpu.dma_semaphore, #tpu.memory_space<semaphore_mem>>) src(%dma_wait3A_370 : memref<1024xi32, #tpu.memory_space<hbm>>) dst(%arg10 : memref<1024xi32, #tpu.memory_space<vmem>>)
    %dma_start3A_371 = arith.constant 0 : i32
    %dma_start3A_372 = tpu.memref_slice %arg15[%dma_start3A_371] : memref<1949696xf32, #tpu.memory_space<vmem_shared>> -> memref<1949696xf32, #tpu.memory_space<vmem_shared>>
    tpu.enqueue_indirect_dma source(%arg14 : memref<1024xf32, #tpu.memory_space<vmem>>) target(%dma_start3A_372 : memref<1949696xf32, #tpu.memory_space<vmem_shared>>) offsets(%arg10 : memref<1024xi32, #tpu.memory_space<vmem>>) semaphore(%arg27 : memref<!tpu.dma_semaphore, #tpu.memory_space<semaphore_mem>>) {add = true}
    %dma_wait3A_373 = arith.constant 0 : i32
    %dma_wait3A_374 = tpu.memref_slice %arg15[%dma_wait3A_373] : memref<1949696xf32, #tpu.memory_space<vmem_shared>> -> memref<1949696xf32, #tpu.memory_space<vmem_shared>>
    tpu.wait_indirect_dma semaphore(%arg24 : memref<!tpu.dma_semaphore, #tpu.memory_space<semaphore_mem>>) src(%arg14 : memref<1024xf32, #tpu.memory_space<vmem>>) dst(%dma_wait3A_374 : memref<1949696xf32, #tpu.memory_space<vmem_shared>>)
    %dma_wait3A_375 = arith.constant 0 : i32
    %dma_wait3A_376 = tpu.memref_slice %arg15[%dma_wait3A_375] : memref<1949696xf32, #tpu.memory_space<vmem_shared>> -> memref<1949696xf32, #tpu.memory_space<vmem_shared>>
    tpu.wait_indirect_dma semaphore(%arg25 : memref<!tpu.dma_semaphore, #tpu.memory_space<semaphore_mem>>) src(%arg14 : memref<1024xf32, #tpu.memory_space<vmem>>) dst(%dma_wait3A_376 : memref<1949696xf32, #tpu.memory_space<vmem_shared>>)
    %dma_wait3A_377 = arith.constant 0 : i32
    %dma_wait3A_378 = tpu.memref_slice %arg15[%dma_wait3A_377] : memref<1949696xf32, #tpu.memory_space<vmem_shared>> -> memref<1949696xf32, #tpu.memory_space<vmem_shared>>
    tpu.wait_indirect_dma semaphore(%arg26 : memref<!tpu.dma_semaphore, #tpu.memory_space<semaphore_mem>>) src(%arg14 : memref<1024xf32, #tpu.memory_space<vmem>>) dst(%dma_wait3A_378 : memref<1949696xf32, #tpu.memory_space<vmem_shared>>)
    %dma_wait3A_379 = arith.constant 0 : i32
    %dma_wait3A_380 = tpu.memref_slice %arg15[%dma_wait3A_379] : memref<1949696xf32, #tpu.memory_space<vmem_shared>> -> memref<1949696xf32, #tpu.memory_space<vmem_shared>>
    tpu.wait_indirect_dma semaphore(%arg27 : memref<!tpu.dma_semaphore, #tpu.memory_space<semaphore_mem>>) src(%arg14 : memref<1024xf32, #tpu.memory_space<vmem>>) dst(%dma_wait3A_380 : memref<1949696xf32, #tpu.memory_space<vmem_shared>>)
    %dma_wait3A_381 = arith.constant 0 : i32
    %dma_wait3A_382 = tpu.memref_slice %arg15[%dma_wait3A_381] : memref<1949696xf32, #tpu.memory_space<vmem_shared>> -> memref<1949696xf32, #tpu.memory_space<vmem_shared>>
    tpu.wait_indirect_dma semaphore(%arg28 : memref<!tpu.dma_semaphore, #tpu.memory_space<semaphore_mem>>) src(%arg14 : memref<1024xf32, #tpu.memory_space<vmem>>) dst(%dma_wait3A_382 : memref<1949696xf32, #tpu.memory_space<vmem_shared>>)
    %dma_wait3A_383 = arith.constant 0 : i32
    %dma_wait3A_384 = tpu.memref_slice %arg15[%dma_wait3A_383] : memref<1949696xf32, #tpu.memory_space<vmem_shared>> -> memref<1949696xf32, #tpu.memory_space<vmem_shared>>
    tpu.wait_indirect_dma semaphore(%arg29 : memref<!tpu.dma_semaphore, #tpu.memory_space<semaphore_mem>>) src(%arg14 : memref<1024xf32, #tpu.memory_space<vmem>>) dst(%dma_wait3A_384 : memref<1949696xf32, #tpu.memory_space<vmem_shared>>)
    %dma_wait3A_385 = arith.constant 0 : i32
    %dma_wait3A_386 = tpu.memref_slice %arg15[%dma_wait3A_385] : memref<1949696xf32, #tpu.memory_space<vmem_shared>> -> memref<1949696xf32, #tpu.memory_space<vmem_shared>>
    tpu.wait_indirect_dma semaphore(%arg30 : memref<!tpu.dma_semaphore, #tpu.memory_space<semaphore_mem>>) src(%arg14 : memref<1024xf32, #tpu.memory_space<vmem>>) dst(%dma_wait3A_386 : memref<1949696xf32, #tpu.memory_space<vmem_shared>>)
    %barrier3A_387 = arith.constant 0 : index
    tpu.barrier barrier_id(%barrier3A_387)
    %add3A_388 = arith.constant 0 : i32
    %add3A_389 = arith.addi %add3A_388, %arg1 : i32
    %lt3A = arith.constant 119 : i32
    %lt3A_390 = arith.cmpi slt, %add3A_389, %lt3A : i32
    %convert_element_type3A = arith.extui %lt3A_390 : i1 to i32
    %cond3A = arith.constant 0 : i32
    %cond3A_391 = arith.cmpi ne, %convert_element_type3A, %cond3A : i32
    scf.if %cond3A_391 {
      %mul3A_441 = arith.constant 16384 : i32
      %mul3A_442 = arith.muli %add3A_389, %mul3A_441 : i32
      %eq3A = arith.constant 0 : i32
      %eq3A_443 = arith.cmpi eq, %arg0, %eq3A : i32
      %convert_element_type3A_444 = arith.extui %eq3A_443 : i1 to i32
      %cond3A_445 = arith.constant 0 : i32
      %cond3A_446 = arith.cmpi ne, %convert_element_type3A_444, %cond3A_445 : i32
      scf.if %cond3A_446 {
        "tpu.region"() ({
          %run_scoped3A = tpu.sem_alloc : memref<!tpu.dma_semaphore, #tpu.memory_space<semaphore_mem>>
          %dma_start3A_452 = arith.constant 0 : i32
          %dma_start3A_453 = tpu.memref_slice %arg5[%add3A_389, %dma_start3A_452] : memref<119x16384xf32, #tpu.memory_space<hbm>> -> memref<1x16384xf32, #tpu.memory_space<hbm>>
          %dma_start3A_454 = tpu.memref_squeeze %dma_start3A_453 : memref<1x16384xf32, #tpu.memory_space<hbm>> -> memref<16384xf32, #tpu.memory_space<hbm>>
          %dma_start3A_455 = tpu.memref_slice %arg15[%mul3A_442] : memref<1949696xf32, #tpu.memory_space<vmem_shared>> -> memref<16384xf32, #tpu.memory_space<vmem_shared>>
          tpu.enqueue_dma source(%dma_start3A_455 : memref<16384xf32, #tpu.memory_space<vmem_shared>>) target(%dma_start3A_454 : memref<16384xf32, #tpu.memory_space<hbm>>) target_semaphore(%run_scoped3A : memref<!tpu.dma_semaphore, #tpu.memory_space<semaphore_mem>>)
          %dma_wait3A_456 = arith.constant 0 : i32
          %dma_wait3A_457 = tpu.memref_slice %arg5[%add3A_389, %dma_wait3A_456] : memref<119x16384xf32, #tpu.memory_space<hbm>> -> memref<1x16384xf32, #tpu.memory_space<hbm>>
          %dma_wait3A_458 = tpu.memref_squeeze %dma_wait3A_457 : memref<1x16384xf32, #tpu.memory_space<hbm>> -> memref<16384xf32, #tpu.memory_space<hbm>>
          %dma_wait3A_459 = tpu.memref_slice %arg15[%mul3A_442] : memref<1949696xf32, #tpu.memory_space<vmem_shared>> -> memref<16384xf32, #tpu.memory_space<vmem_shared>>
          tpu.wait_dma2 semaphore(%run_scoped3A : memref<!tpu.dma_semaphore, #tpu.memory_space<semaphore_mem>>) src(%dma_wait3A_459 : memref<16384xf32, #tpu.memory_space<vmem_shared>>) dst(%dma_wait3A_458 : memref<16384xf32, #tpu.memory_space<hbm>>)
          tpu.yield
        }) : () -> ()
      } else {
      }
      %eq3A_447 = arith.constant 1 : i32
      %eq3A_448 = arith.cmpi eq, %arg0, %eq3A_447 : i32
      %convert_element_type3A_449 = arith.extui %eq3A_448 : i1 to i32
      %cond3A_450 = arith.constant 0 : i32
      %cond3A_451 = arith.cmpi ne, %convert_element_type3A_449, %cond3A_450 : i32
      scf.if %cond3A_451 {
        "tpu.region"() ({
          %run_scoped3A = tpu.sem_alloc : memref<!tpu.dma_semaphore, #tpu.memory_space<semaphore_mem>>
          %dma_start3A_452 = arith.constant 0 : i32
          %dma_start3A_453 = tpu.memref_slice %arg6[%add3A_389, %dma_start3A_452] : memref<119x16384xf32, #tpu.memory_space<hbm>> -> memref<1x16384xf32, #tpu.memory_space<hbm>>
          %dma_start3A_454 = tpu.memref_squeeze %dma_start3A_453 : memref<1x16384xf32, #tpu.memory_space<hbm>> -> memref<16384xf32, #tpu.memory_space<hbm>>
          %dma_start3A_455 = tpu.memref_slice %arg15[%mul3A_442] : memref<1949696xf32, #tpu.memory_space<vmem_shared>> -> memref<16384xf32, #tpu.memory_space<vmem_shared>>
          tpu.enqueue_dma source(%dma_start3A_455 : memref<16384xf32, #tpu.memory_space<vmem_shared>>) target(%dma_start3A_454 : memref<16384xf32, #tpu.memory_space<hbm>>) target_semaphore(%run_scoped3A : memref<!tpu.dma_semaphore, #tpu.memory_space<semaphore_mem>>)
          %dma_wait3A_456 = arith.constant 0 : i32
          %dma_wait3A_457 = tpu.memref_slice %arg6[%add3A_389, %dma_wait3A_456] : memref<119x16384xf32, #tpu.memory_space<hbm>> -> memref<1x16384xf32, #tpu.memory_space<hbm>>
          %dma_wait3A_458 = tpu.memref_squeeze %dma_wait3A_457 : memref<1x16384xf32, #tpu.memory_space<hbm>> -> memref<16384xf32, #tpu.memory_space<hbm>>
          %dma_wait3A_459 = tpu.memref_slice %arg15[%mul3A_442] : memref<1949696xf32, #tpu.memory_space<vmem_shared>> -> memref<16384xf32, #tpu.memory_space<vmem_shared>>
          tpu.wait_dma2 semaphore(%run_scoped3A : memref<!tpu.dma_semaphore, #tpu.memory_space<semaphore_mem>>) src(%dma_wait3A_459 : memref<16384xf32, #tpu.memory_space<vmem_shared>>) dst(%dma_wait3A_458 : memref<16384xf32, #tpu.memory_space<hbm>>)
          tpu.yield
        }) : () -> ()
      } else {
      }
    } else {
    }
    %add3A_392 = arith.constant 16 : i32
    %add3A_393 = arith.addi %add3A_392, %arg1 : i32
    %lt3A_394 = arith.constant 119 : i32
    %lt3A_395 = arith.cmpi slt, %add3A_393, %lt3A_394 : i32
    %convert_element_type3A_396 = arith.extui %lt3A_395 : i1 to i32
    %cond3A_397 = arith.constant 0 : i32
    %cond3A_398 = arith.cmpi ne, %convert_element_type3A_396, %cond3A_397 : i32
    scf.if %cond3A_398 {
      %mul3A_441 = arith.constant 16384 : i32
      %mul3A_442 = arith.muli %add3A_393, %mul3A_441 : i32
      %eq3A = arith.constant 0 : i32
      %eq3A_443 = arith.cmpi eq, %arg0, %eq3A : i32
      %convert_element_type3A_444 = arith.extui %eq3A_443 : i1 to i32
      %cond3A_445 = arith.constant 0 : i32
      %cond3A_446 = arith.cmpi ne, %convert_element_type3A_444, %cond3A_445 : i32
      scf.if %cond3A_446 {
        "tpu.region"() ({
          %run_scoped3A = tpu.sem_alloc : memref<!tpu.dma_semaphore, #tpu.memory_space<semaphore_mem>>
          %dma_start3A_452 = arith.constant 0 : i32
          %dma_start3A_453 = tpu.memref_slice %arg5[%add3A_393, %dma_start3A_452] : memref<119x16384xf32, #tpu.memory_space<hbm>> -> memref<1x16384xf32, #tpu.memory_space<hbm>>
          %dma_start3A_454 = tpu.memref_squeeze %dma_start3A_453 : memref<1x16384xf32, #tpu.memory_space<hbm>> -> memref<16384xf32, #tpu.memory_space<hbm>>
          %dma_start3A_455 = tpu.memref_slice %arg15[%mul3A_442] : memref<1949696xf32, #tpu.memory_space<vmem_shared>> -> memref<16384xf32, #tpu.memory_space<vmem_shared>>
          tpu.enqueue_dma source(%dma_start3A_455 : memref<16384xf32, #tpu.memory_space<vmem_shared>>) target(%dma_start3A_454 : memref<16384xf32, #tpu.memory_space<hbm>>) target_semaphore(%run_scoped3A : memref<!tpu.dma_semaphore, #tpu.memory_space<semaphore_mem>>)
          %dma_wait3A_456 = arith.constant 0 : i32
          %dma_wait3A_457 = tpu.memref_slice %arg5[%add3A_393, %dma_wait3A_456] : memref<119x16384xf32, #tpu.memory_space<hbm>> -> memref<1x16384xf32, #tpu.memory_space<hbm>>
          %dma_wait3A_458 = tpu.memref_squeeze %dma_wait3A_457 : memref<1x16384xf32, #tpu.memory_space<hbm>> -> memref<16384xf32, #tpu.memory_space<hbm>>
          %dma_wait3A_459 = tpu.memref_slice %arg15[%mul3A_442] : memref<1949696xf32, #tpu.memory_space<vmem_shared>> -> memref<16384xf32, #tpu.memory_space<vmem_shared>>
          tpu.wait_dma2 semaphore(%run_scoped3A : memref<!tpu.dma_semaphore, #tpu.memory_space<semaphore_mem>>) src(%dma_wait3A_459 : memref<16384xf32, #tpu.memory_space<vmem_shared>>) dst(%dma_wait3A_458 : memref<16384xf32, #tpu.memory_space<hbm>>)
          tpu.yield
        }) : () -> ()
      } else {
      }
      %eq3A_447 = arith.constant 1 : i32
      %eq3A_448 = arith.cmpi eq, %arg0, %eq3A_447 : i32
      %convert_element_type3A_449 = arith.extui %eq3A_448 : i1 to i32
      %cond3A_450 = arith.constant 0 : i32
      %cond3A_451 = arith.cmpi ne, %convert_element_type3A_449, %cond3A_450 : i32
      scf.if %cond3A_451 {
        "tpu.region"() ({
          %run_scoped3A = tpu.sem_alloc : memref<!tpu.dma_semaphore, #tpu.memory_space<semaphore_mem>>
          %dma_start3A_452 = arith.constant 0 : i32
          %dma_start3A_453 = tpu.memref_slice %arg6[%add3A_393, %dma_start3A_452] : memref<119x16384xf32, #tpu.memory_space<hbm>> -> memref<1x16384xf32, #tpu.memory_space<hbm>>
          %dma_start3A_454 = tpu.memref_squeeze %dma_start3A_453 : memref<1x16384xf32, #tpu.memory_space<hbm>> -> memref<16384xf32, #tpu.memory_space<hbm>>
          %dma_start3A_455 = tpu.memref_slice %arg15[%mul3A_442] : memref<1949696xf32, #tpu.memory_space<vmem_shared>> -> memref<16384xf32, #tpu.memory_space<vmem_shared>>
          tpu.enqueue_dma source(%dma_start3A_455 : memref<16384xf32, #tpu.memory_space<vmem_shared>>) target(%dma_start3A_454 : memref<16384xf32, #tpu.memory_space<hbm>>) target_semaphore(%run_scoped3A : memref<!tpu.dma_semaphore, #tpu.memory_space<semaphore_mem>>)
          %dma_wait3A_456 = arith.constant 0 : i32
          %dma_wait3A_457 = tpu.memref_slice %arg6[%add3A_393, %dma_wait3A_456] : memref<119x16384xf32, #tpu.memory_space<hbm>> -> memref<1x16384xf32, #tpu.memory_space<hbm>>
          %dma_wait3A_458 = tpu.memref_squeeze %dma_wait3A_457 : memref<1x16384xf32, #tpu.memory_space<hbm>> -> memref<16384xf32, #tpu.memory_space<hbm>>
          %dma_wait3A_459 = tpu.memref_slice %arg15[%mul3A_442] : memref<1949696xf32, #tpu.memory_space<vmem_shared>> -> memref<16384xf32, #tpu.memory_space<vmem_shared>>
          tpu.wait_dma2 semaphore(%run_scoped3A : memref<!tpu.dma_semaphore, #tpu.memory_space<semaphore_mem>>) src(%dma_wait3A_459 : memref<16384xf32, #tpu.memory_space<vmem_shared>>) dst(%dma_wait3A_458 : memref<16384xf32, #tpu.memory_space<hbm>>)
          tpu.yield
        }) : () -> ()
      } else {
      }
    } else {
    }
    %add3A_399 = arith.constant 32 : i32
    %add3A_400 = arith.addi %add3A_399, %arg1 : i32
    %lt3A_401 = arith.constant 119 : i32
    %lt3A_402 = arith.cmpi slt, %add3A_400, %lt3A_401 : i32
    %convert_element_type3A_403 = arith.extui %lt3A_402 : i1 to i32
    %cond3A_404 = arith.constant 0 : i32
    %cond3A_405 = arith.cmpi ne, %convert_element_type3A_403, %cond3A_404 : i32
    scf.if %cond3A_405 {
      %mul3A_441 = arith.constant 16384 : i32
      %mul3A_442 = arith.muli %add3A_400, %mul3A_441 : i32
      %eq3A = arith.constant 0 : i32
      %eq3A_443 = arith.cmpi eq, %arg0, %eq3A : i32
      %convert_element_type3A_444 = arith.extui %eq3A_443 : i1 to i32
      %cond3A_445 = arith.constant 0 : i32
      %cond3A_446 = arith.cmpi ne, %convert_element_type3A_444, %cond3A_445 : i32
      scf.if %cond3A_446 {
        "tpu.region"() ({
          %run_scoped3A = tpu.sem_alloc : memref<!tpu.dma_semaphore, #tpu.memory_space<semaphore_mem>>
          %dma_start3A_452 = arith.constant 0 : i32
          %dma_start3A_453 = tpu.memref_slice %arg5[%add3A_400, %dma_start3A_452] : memref<119x16384xf32, #tpu.memory_space<hbm>> -> memref<1x16384xf32, #tpu.memory_space<hbm>>
          %dma_start3A_454 = tpu.memref_squeeze %dma_start3A_453 : memref<1x16384xf32, #tpu.memory_space<hbm>> -> memref<16384xf32, #tpu.memory_space<hbm>>
          %dma_start3A_455 = tpu.memref_slice %arg15[%mul3A_442] : memref<1949696xf32, #tpu.memory_space<vmem_shared>> -> memref<16384xf32, #tpu.memory_space<vmem_shared>>
          tpu.enqueue_dma source(%dma_start3A_455 : memref<16384xf32, #tpu.memory_space<vmem_shared>>) target(%dma_start3A_454 : memref<16384xf32, #tpu.memory_space<hbm>>) target_semaphore(%run_scoped3A : memref<!tpu.dma_semaphore, #tpu.memory_space<semaphore_mem>>)
          %dma_wait3A_456 = arith.constant 0 : i32
          %dma_wait3A_457 = tpu.memref_slice %arg5[%add3A_400, %dma_wait3A_456] : memref<119x16384xf32, #tpu.memory_space<hbm>> -> memref<1x16384xf32, #tpu.memory_space<hbm>>
          %dma_wait3A_458 = tpu.memref_squeeze %dma_wait3A_457 : memref<1x16384xf32, #tpu.memory_space<hbm>> -> memref<16384xf32, #tpu.memory_space<hbm>>
          %dma_wait3A_459 = tpu.memref_slice %arg15[%mul3A_442] : memref<1949696xf32, #tpu.memory_space<vmem_shared>> -> memref<16384xf32, #tpu.memory_space<vmem_shared>>
          tpu.wait_dma2 semaphore(%run_scoped3A : memref<!tpu.dma_semaphore, #tpu.memory_space<semaphore_mem>>) src(%dma_wait3A_459 : memref<16384xf32, #tpu.memory_space<vmem_shared>>) dst(%dma_wait3A_458 : memref<16384xf32, #tpu.memory_space<hbm>>)
          tpu.yield
        }) : () -> ()
      } else {
      }
      %eq3A_447 = arith.constant 1 : i32
      %eq3A_448 = arith.cmpi eq, %arg0, %eq3A_447 : i32
      %convert_element_type3A_449 = arith.extui %eq3A_448 : i1 to i32
      %cond3A_450 = arith.constant 0 : i32
      %cond3A_451 = arith.cmpi ne, %convert_element_type3A_449, %cond3A_450 : i32
      scf.if %cond3A_451 {
        "tpu.region"() ({
          %run_scoped3A = tpu.sem_alloc : memref<!tpu.dma_semaphore, #tpu.memory_space<semaphore_mem>>
          %dma_start3A_452 = arith.constant 0 : i32
          %dma_start3A_453 = tpu.memref_slice %arg6[%add3A_400, %dma_start3A_452] : memref<119x16384xf32, #tpu.memory_space<hbm>> -> memref<1x16384xf32, #tpu.memory_space<hbm>>
          %dma_start3A_454 = tpu.memref_squeeze %dma_start3A_453 : memref<1x16384xf32, #tpu.memory_space<hbm>> -> memref<16384xf32, #tpu.memory_space<hbm>>
          %dma_start3A_455 = tpu.memref_slice %arg15[%mul3A_442] : memref<1949696xf32, #tpu.memory_space<vmem_shared>> -> memref<16384xf32, #tpu.memory_space<vmem_shared>>
          tpu.enqueue_dma source(%dma_start3A_455 : memref<16384xf32, #tpu.memory_space<vmem_shared>>) target(%dma_start3A_454 : memref<16384xf32, #tpu.memory_space<hbm>>) target_semaphore(%run_scoped3A : memref<!tpu.dma_semaphore, #tpu.memory_space<semaphore_mem>>)
          %dma_wait3A_456 = arith.constant 0 : i32
          %dma_wait3A_457 = tpu.memref_slice %arg6[%add3A_400, %dma_wait3A_456] : memref<119x16384xf32, #tpu.memory_space<hbm>> -> memref<1x16384xf32, #tpu.memory_space<hbm>>
          %dma_wait3A_458 = tpu.memref_squeeze %dma_wait3A_457 : memref<1x16384xf32, #tpu.memory_space<hbm>> -> memref<16384xf32, #tpu.memory_space<hbm>>
          %dma_wait3A_459 = tpu.memref_slice %arg15[%mul3A_442] : memref<1949696xf32, #tpu.memory_space<vmem_shared>> -> memref<16384xf32, #tpu.memory_space<vmem_shared>>
          tpu.wait_dma2 semaphore(%run_scoped3A : memref<!tpu.dma_semaphore, #tpu.memory_space<semaphore_mem>>) src(%dma_wait3A_459 : memref<16384xf32, #tpu.memory_space<vmem_shared>>) dst(%dma_wait3A_458 : memref<16384xf32, #tpu.memory_space<hbm>>)
          tpu.yield
        }) : () -> ()
      } else {
      }
    } else {
    }
    %add3A_406 = arith.constant 48 : i32
    %add3A_407 = arith.addi %add3A_406, %arg1 : i32
    %lt3A_408 = arith.constant 119 : i32
    %lt3A_409 = arith.cmpi slt, %add3A_407, %lt3A_408 : i32
    %convert_element_type3A_410 = arith.extui %lt3A_409 : i1 to i32
    %cond3A_411 = arith.constant 0 : i32
    %cond3A_412 = arith.cmpi ne, %convert_element_type3A_410, %cond3A_411 : i32
    scf.if %cond3A_412 {
      %mul3A_441 = arith.constant 16384 : i32
      %mul3A_442 = arith.muli %add3A_407, %mul3A_441 : i32
      %eq3A = arith.constant 0 : i32
      %eq3A_443 = arith.cmpi eq, %arg0, %eq3A : i32
      %convert_element_type3A_444 = arith.extui %eq3A_443 : i1 to i32
      %cond3A_445 = arith.constant 0 : i32
      %cond3A_446 = arith.cmpi ne, %convert_element_type3A_444, %cond3A_445 : i32
      scf.if %cond3A_446 {
        "tpu.region"() ({
          %run_scoped3A = tpu.sem_alloc : memref<!tpu.dma_semaphore, #tpu.memory_space<semaphore_mem>>
          %dma_start3A_452 = arith.constant 0 : i32
          %dma_start3A_453 = tpu.memref_slice %arg5[%add3A_407, %dma_start3A_452] : memref<119x16384xf32, #tpu.memory_space<hbm>> -> memref<1x16384xf32, #tpu.memory_space<hbm>>
          %dma_start3A_454 = tpu.memref_squeeze %dma_start3A_453 : memref<1x16384xf32, #tpu.memory_space<hbm>> -> memref<16384xf32, #tpu.memory_space<hbm>>
          %dma_start3A_455 = tpu.memref_slice %arg15[%mul3A_442] : memref<1949696xf32, #tpu.memory_space<vmem_shared>> -> memref<16384xf32, #tpu.memory_space<vmem_shared>>
          tpu.enqueue_dma source(%dma_start3A_455 : memref<16384xf32, #tpu.memory_space<vmem_shared>>) target(%dma_start3A_454 : memref<16384xf32, #tpu.memory_space<hbm>>) target_semaphore(%run_scoped3A : memref<!tpu.dma_semaphore, #tpu.memory_space<semaphore_mem>>)
          %dma_wait3A_456 = arith.constant 0 : i32
          %dma_wait3A_457 = tpu.memref_slice %arg5[%add3A_407, %dma_wait3A_456] : memref<119x16384xf32, #tpu.memory_space<hbm>> -> memref<1x16384xf32, #tpu.memory_space<hbm>>
          %dma_wait3A_458 = tpu.memref_squeeze %dma_wait3A_457 : memref<1x16384xf32, #tpu.memory_space<hbm>> -> memref<16384xf32, #tpu.memory_space<hbm>>
          %dma_wait3A_459 = tpu.memref_slice %arg15[%mul3A_442] : memref<1949696xf32, #tpu.memory_space<vmem_shared>> -> memref<16384xf32, #tpu.memory_space<vmem_shared>>
          tpu.wait_dma2 semaphore(%run_scoped3A : memref<!tpu.dma_semaphore, #tpu.memory_space<semaphore_mem>>) src(%dma_wait3A_459 : memref<16384xf32, #tpu.memory_space<vmem_shared>>) dst(%dma_wait3A_458 : memref<16384xf32, #tpu.memory_space<hbm>>)
          tpu.yield
        }) : () -> ()
      } else {
      }
      %eq3A_447 = arith.constant 1 : i32
      %eq3A_448 = arith.cmpi eq, %arg0, %eq3A_447 : i32
      %convert_element_type3A_449 = arith.extui %eq3A_448 : i1 to i32
      %cond3A_450 = arith.constant 0 : i32
      %cond3A_451 = arith.cmpi ne, %convert_element_type3A_449, %cond3A_450 : i32
      scf.if %cond3A_451 {
        "tpu.region"() ({
          %run_scoped3A = tpu.sem_alloc : memref<!tpu.dma_semaphore, #tpu.memory_space<semaphore_mem>>
          %dma_start3A_452 = arith.constant 0 : i32
          %dma_start3A_453 = tpu.memref_slice %arg6[%add3A_407, %dma_start3A_452] : memref<119x16384xf32, #tpu.memory_space<hbm>> -> memref<1x16384xf32, #tpu.memory_space<hbm>>
          %dma_start3A_454 = tpu.memref_squeeze %dma_start3A_453 : memref<1x16384xf32, #tpu.memory_space<hbm>> -> memref<16384xf32, #tpu.memory_space<hbm>>
          %dma_start3A_455 = tpu.memref_slice %arg15[%mul3A_442] : memref<1949696xf32, #tpu.memory_space<vmem_shared>> -> memref<16384xf32, #tpu.memory_space<vmem_shared>>
          tpu.enqueue_dma source(%dma_start3A_455 : memref<16384xf32, #tpu.memory_space<vmem_shared>>) target(%dma_start3A_454 : memref<16384xf32, #tpu.memory_space<hbm>>) target_semaphore(%run_scoped3A : memref<!tpu.dma_semaphore, #tpu.memory_space<semaphore_mem>>)
          %dma_wait3A_456 = arith.constant 0 : i32
          %dma_wait3A_457 = tpu.memref_slice %arg6[%add3A_407, %dma_wait3A_456] : memref<119x16384xf32, #tpu.memory_space<hbm>> -> memref<1x16384xf32, #tpu.memory_space<hbm>>
          %dma_wait3A_458 = tpu.memref_squeeze %dma_wait3A_457 : memref<1x16384xf32, #tpu.memory_space<hbm>> -> memref<16384xf32, #tpu.memory_space<hbm>>
          %dma_wait3A_459 = tpu.memref_slice %arg15[%mul3A_442] : memref<1949696xf32, #tpu.memory_space<vmem_shared>> -> memref<16384xf32, #tpu.memory_space<vmem_shared>>
          tpu.wait_dma2 semaphore(%run_scoped3A : memref<!tpu.dma_semaphore, #tpu.memory_space<semaphore_mem>>) src(%dma_wait3A_459 : memref<16384xf32, #tpu.memory_space<vmem_shared>>) dst(%dma_wait3A_458 : memref<16384xf32, #tpu.memory_space<hbm>>)
          tpu.yield
        }) : () -> ()
      } else {
      }
    } else {
    }
    %add3A_413 = arith.constant 64 : i32
    %add3A_414 = arith.addi %add3A_413, %arg1 : i32
    %lt3A_415 = arith.constant 119 : i32
    %lt3A_416 = arith.cmpi slt, %add3A_414, %lt3A_415 : i32
    %convert_element_type3A_417 = arith.extui %lt3A_416 : i1 to i32
    %cond3A_418 = arith.constant 0 : i32
    %cond3A_419 = arith.cmpi ne, %convert_element_type3A_417, %cond3A_418 : i32
    scf.if %cond3A_419 {
      %mul3A_441 = arith.constant 16384 : i32
      %mul3A_442 = arith.muli %add3A_414, %mul3A_441 : i32
      %eq3A = arith.constant 0 : i32
      %eq3A_443 = arith.cmpi eq, %arg0, %eq3A : i32
      %convert_element_type3A_444 = arith.extui %eq3A_443 : i1 to i32
      %cond3A_445 = arith.constant 0 : i32
      %cond3A_446 = arith.cmpi ne, %convert_element_type3A_444, %cond3A_445 : i32
      scf.if %cond3A_446 {
        "tpu.region"() ({
          %run_scoped3A = tpu.sem_alloc : memref<!tpu.dma_semaphore, #tpu.memory_space<semaphore_mem>>
          %dma_start3A_452 = arith.constant 0 : i32
          %dma_start3A_453 = tpu.memref_slice %arg5[%add3A_414, %dma_start3A_452] : memref<119x16384xf32, #tpu.memory_space<hbm>> -> memref<1x16384xf32, #tpu.memory_space<hbm>>
          %dma_start3A_454 = tpu.memref_squeeze %dma_start3A_453 : memref<1x16384xf32, #tpu.memory_space<hbm>> -> memref<16384xf32, #tpu.memory_space<hbm>>
          %dma_start3A_455 = tpu.memref_slice %arg15[%mul3A_442] : memref<1949696xf32, #tpu.memory_space<vmem_shared>> -> memref<16384xf32, #tpu.memory_space<vmem_shared>>
          tpu.enqueue_dma source(%dma_start3A_455 : memref<16384xf32, #tpu.memory_space<vmem_shared>>) target(%dma_start3A_454 : memref<16384xf32, #tpu.memory_space<hbm>>) target_semaphore(%run_scoped3A : memref<!tpu.dma_semaphore, #tpu.memory_space<semaphore_mem>>)
          %dma_wait3A_456 = arith.constant 0 : i32
          %dma_wait3A_457 = tpu.memref_slice %arg5[%add3A_414, %dma_wait3A_456] : memref<119x16384xf32, #tpu.memory_space<hbm>> -> memref<1x16384xf32, #tpu.memory_space<hbm>>
          %dma_wait3A_458 = tpu.memref_squeeze %dma_wait3A_457 : memref<1x16384xf32, #tpu.memory_space<hbm>> -> memref<16384xf32, #tpu.memory_space<hbm>>
          %dma_wait3A_459 = tpu.memref_slice %arg15[%mul3A_442] : memref<1949696xf32, #tpu.memory_space<vmem_shared>> -> memref<16384xf32, #tpu.memory_space<vmem_shared>>
          tpu.wait_dma2 semaphore(%run_scoped3A : memref<!tpu.dma_semaphore, #tpu.memory_space<semaphore_mem>>) src(%dma_wait3A_459 : memref<16384xf32, #tpu.memory_space<vmem_shared>>) dst(%dma_wait3A_458 : memref<16384xf32, #tpu.memory_space<hbm>>)
          tpu.yield
        }) : () -> ()
      } else {
      }
      %eq3A_447 = arith.constant 1 : i32
      %eq3A_448 = arith.cmpi eq, %arg0, %eq3A_447 : i32
      %convert_element_type3A_449 = arith.extui %eq3A_448 : i1 to i32
      %cond3A_450 = arith.constant 0 : i32
      %cond3A_451 = arith.cmpi ne, %convert_element_type3A_449, %cond3A_450 : i32
      scf.if %cond3A_451 {
        "tpu.region"() ({
          %run_scoped3A = tpu.sem_alloc : memref<!tpu.dma_semaphore, #tpu.memory_space<semaphore_mem>>
          %dma_start3A_452 = arith.constant 0 : i32
          %dma_start3A_453 = tpu.memref_slice %arg6[%add3A_414, %dma_start3A_452] : memref<119x16384xf32, #tpu.memory_space<hbm>> -> memref<1x16384xf32, #tpu.memory_space<hbm>>
          %dma_start3A_454 = tpu.memref_squeeze %dma_start3A_453 : memref<1x16384xf32, #tpu.memory_space<hbm>> -> memref<16384xf32, #tpu.memory_space<hbm>>
          %dma_start3A_455 = tpu.memref_slice %arg15[%mul3A_442] : memref<1949696xf32, #tpu.memory_space<vmem_shared>> -> memref<16384xf32, #tpu.memory_space<vmem_shared>>
          tpu.enqueue_dma source(%dma_start3A_455 : memref<16384xf32, #tpu.memory_space<vmem_shared>>) target(%dma_start3A_454 : memref<16384xf32, #tpu.memory_space<hbm>>) target_semaphore(%run_scoped3A : memref<!tpu.dma_semaphore, #tpu.memory_space<semaphore_mem>>)
          %dma_wait3A_456 = arith.constant 0 : i32
          %dma_wait3A_457 = tpu.memref_slice %arg6[%add3A_414, %dma_wait3A_456] : memref<119x16384xf32, #tpu.memory_space<hbm>> -> memref<1x16384xf32, #tpu.memory_space<hbm>>
          %dma_wait3A_458 = tpu.memref_squeeze %dma_wait3A_457 : memref<1x16384xf32, #tpu.memory_space<hbm>> -> memref<16384xf32, #tpu.memory_space<hbm>>
          %dma_wait3A_459 = tpu.memref_slice %arg15[%mul3A_442] : memref<1949696xf32, #tpu.memory_space<vmem_shared>> -> memref<16384xf32, #tpu.memory_space<vmem_shared>>
          tpu.wait_dma2 semaphore(%run_scoped3A : memref<!tpu.dma_semaphore, #tpu.memory_space<semaphore_mem>>) src(%dma_wait3A_459 : memref<16384xf32, #tpu.memory_space<vmem_shared>>) dst(%dma_wait3A_458 : memref<16384xf32, #tpu.memory_space<hbm>>)
          tpu.yield
        }) : () -> ()
      } else {
      }
    } else {
    }
    %add3A_420 = arith.constant 80 : i32
    %add3A_421 = arith.addi %add3A_420, %arg1 : i32
    %lt3A_422 = arith.constant 119 : i32
    %lt3A_423 = arith.cmpi slt, %add3A_421, %lt3A_422 : i32
    %convert_element_type3A_424 = arith.extui %lt3A_423 : i1 to i32
    %cond3A_425 = arith.constant 0 : i32
    %cond3A_426 = arith.cmpi ne, %convert_element_type3A_424, %cond3A_425 : i32
    scf.if %cond3A_426 {
      %mul3A_441 = arith.constant 16384 : i32
      %mul3A_442 = arith.muli %add3A_421, %mul3A_441 : i32
      %eq3A = arith.constant 0 : i32
      %eq3A_443 = arith.cmpi eq, %arg0, %eq3A : i32
      %convert_element_type3A_444 = arith.extui %eq3A_443 : i1 to i32
      %cond3A_445 = arith.constant 0 : i32
      %cond3A_446 = arith.cmpi ne, %convert_element_type3A_444, %cond3A_445 : i32
      scf.if %cond3A_446 {
        "tpu.region"() ({
          %run_scoped3A = tpu.sem_alloc : memref<!tpu.dma_semaphore, #tpu.memory_space<semaphore_mem>>
          %dma_start3A_452 = arith.constant 0 : i32
          %dma_start3A_453 = tpu.memref_slice %arg5[%add3A_421, %dma_start3A_452] : memref<119x16384xf32, #tpu.memory_space<hbm>> -> memref<1x16384xf32, #tpu.memory_space<hbm>>
          %dma_start3A_454 = tpu.memref_squeeze %dma_start3A_453 : memref<1x16384xf32, #tpu.memory_space<hbm>> -> memref<16384xf32, #tpu.memory_space<hbm>>
          %dma_start3A_455 = tpu.memref_slice %arg15[%mul3A_442] : memref<1949696xf32, #tpu.memory_space<vmem_shared>> -> memref<16384xf32, #tpu.memory_space<vmem_shared>>
          tpu.enqueue_dma source(%dma_start3A_455 : memref<16384xf32, #tpu.memory_space<vmem_shared>>) target(%dma_start3A_454 : memref<16384xf32, #tpu.memory_space<hbm>>) target_semaphore(%run_scoped3A : memref<!tpu.dma_semaphore, #tpu.memory_space<semaphore_mem>>)
          %dma_wait3A_456 = arith.constant 0 : i32
          %dma_wait3A_457 = tpu.memref_slice %arg5[%add3A_421, %dma_wait3A_456] : memref<119x16384xf32, #tpu.memory_space<hbm>> -> memref<1x16384xf32, #tpu.memory_space<hbm>>
          %dma_wait3A_458 = tpu.memref_squeeze %dma_wait3A_457 : memref<1x16384xf32, #tpu.memory_space<hbm>> -> memref<16384xf32, #tpu.memory_space<hbm>>
          %dma_wait3A_459 = tpu.memref_slice %arg15[%mul3A_442] : memref<1949696xf32, #tpu.memory_space<vmem_shared>> -> memref<16384xf32, #tpu.memory_space<vmem_shared>>
          tpu.wait_dma2 semaphore(%run_scoped3A : memref<!tpu.dma_semaphore, #tpu.memory_space<semaphore_mem>>) src(%dma_wait3A_459 : memref<16384xf32, #tpu.memory_space<vmem_shared>>) dst(%dma_wait3A_458 : memref<16384xf32, #tpu.memory_space<hbm>>)
          tpu.yield
        }) : () -> ()
      } else {
      }
      %eq3A_447 = arith.constant 1 : i32
      %eq3A_448 = arith.cmpi eq, %arg0, %eq3A_447 : i32
      %convert_element_type3A_449 = arith.extui %eq3A_448 : i1 to i32
      %cond3A_450 = arith.constant 0 : i32
      %cond3A_451 = arith.cmpi ne, %convert_element_type3A_449, %cond3A_450 : i32
      scf.if %cond3A_451 {
        "tpu.region"() ({
          %run_scoped3A = tpu.sem_alloc : memref<!tpu.dma_semaphore, #tpu.memory_space<semaphore_mem>>
          %dma_start3A_452 = arith.constant 0 : i32
          %dma_start3A_453 = tpu.memref_slice %arg6[%add3A_421, %dma_start3A_452] : memref<119x16384xf32, #tpu.memory_space<hbm>> -> memref<1x16384xf32, #tpu.memory_space<hbm>>
          %dma_start3A_454 = tpu.memref_squeeze %dma_start3A_453 : memref<1x16384xf32, #tpu.memory_space<hbm>> -> memref<16384xf32, #tpu.memory_space<hbm>>
          %dma_start3A_455 = tpu.memref_slice %arg15[%mul3A_442] : memref<1949696xf32, #tpu.memory_space<vmem_shared>> -> memref<16384xf32, #tpu.memory_space<vmem_shared>>
          tpu.enqueue_dma source(%dma_start3A_455 : memref<16384xf32, #tpu.memory_space<vmem_shared>>) target(%dma_start3A_454 : memref<16384xf32, #tpu.memory_space<hbm>>) target_semaphore(%run_scoped3A : memref<!tpu.dma_semaphore, #tpu.memory_space<semaphore_mem>>)
          %dma_wait3A_456 = arith.constant 0 : i32
          %dma_wait3A_457 = tpu.memref_slice %arg6[%add3A_421, %dma_wait3A_456] : memref<119x16384xf32, #tpu.memory_space<hbm>> -> memref<1x16384xf32, #tpu.memory_space<hbm>>
          %dma_wait3A_458 = tpu.memref_squeeze %dma_wait3A_457 : memref<1x16384xf32, #tpu.memory_space<hbm>> -> memref<16384xf32, #tpu.memory_space<hbm>>
          %dma_wait3A_459 = tpu.memref_slice %arg15[%mul3A_442] : memref<1949696xf32, #tpu.memory_space<vmem_shared>> -> memref<16384xf32, #tpu.memory_space<vmem_shared>>
          tpu.wait_dma2 semaphore(%run_scoped3A : memref<!tpu.dma_semaphore, #tpu.memory_space<semaphore_mem>>) src(%dma_wait3A_459 : memref<16384xf32, #tpu.memory_space<vmem_shared>>) dst(%dma_wait3A_458 : memref<16384xf32, #tpu.memory_space<hbm>>)
          tpu.yield
        }) : () -> ()
      } else {
      }
    } else {
    }
    %add3A_427 = arith.constant 96 : i32
    %add3A_428 = arith.addi %add3A_427, %arg1 : i32
    %lt3A_429 = arith.constant 119 : i32
    %lt3A_430 = arith.cmpi slt, %add3A_428, %lt3A_429 : i32
    %convert_element_type3A_431 = arith.extui %lt3A_430 : i1 to i32
    %cond3A_432 = arith.constant 0 : i32
    %cond3A_433 = arith.cmpi ne, %convert_element_type3A_431, %cond3A_432 : i32
    scf.if %cond3A_433 {
      %mul3A_441 = arith.constant 16384 : i32
      %mul3A_442 = arith.muli %add3A_428, %mul3A_441 : i32
      %eq3A = arith.constant 0 : i32
      %eq3A_443 = arith.cmpi eq, %arg0, %eq3A : i32
      %convert_element_type3A_444 = arith.extui %eq3A_443 : i1 to i32
      %cond3A_445 = arith.constant 0 : i32
      %cond3A_446 = arith.cmpi ne, %convert_element_type3A_444, %cond3A_445 : i32
      scf.if %cond3A_446 {
        "tpu.region"() ({
          %run_scoped3A = tpu.sem_alloc : memref<!tpu.dma_semaphore, #tpu.memory_space<semaphore_mem>>
          %dma_start3A_452 = arith.constant 0 : i32
          %dma_start3A_453 = tpu.memref_slice %arg5[%add3A_428, %dma_start3A_452] : memref<119x16384xf32, #tpu.memory_space<hbm>> -> memref<1x16384xf32, #tpu.memory_space<hbm>>
          %dma_start3A_454 = tpu.memref_squeeze %dma_start3A_453 : memref<1x16384xf32, #tpu.memory_space<hbm>> -> memref<16384xf32, #tpu.memory_space<hbm>>
          %dma_start3A_455 = tpu.memref_slice %arg15[%mul3A_442] : memref<1949696xf32, #tpu.memory_space<vmem_shared>> -> memref<16384xf32, #tpu.memory_space<vmem_shared>>
          tpu.enqueue_dma source(%dma_start3A_455 : memref<16384xf32, #tpu.memory_space<vmem_shared>>) target(%dma_start3A_454 : memref<16384xf32, #tpu.memory_space<hbm>>) target_semaphore(%run_scoped3A : memref<!tpu.dma_semaphore, #tpu.memory_space<semaphore_mem>>)
          %dma_wait3A_456 = arith.constant 0 : i32
          %dma_wait3A_457 = tpu.memref_slice %arg5[%add3A_428, %dma_wait3A_456] : memref<119x16384xf32, #tpu.memory_space<hbm>> -> memref<1x16384xf32, #tpu.memory_space<hbm>>
          %dma_wait3A_458 = tpu.memref_squeeze %dma_wait3A_457 : memref<1x16384xf32, #tpu.memory_space<hbm>> -> memref<16384xf32, #tpu.memory_space<hbm>>
          %dma_wait3A_459 = tpu.memref_slice %arg15[%mul3A_442] : memref<1949696xf32, #tpu.memory_space<vmem_shared>> -> memref<16384xf32, #tpu.memory_space<vmem_shared>>
          tpu.wait_dma2 semaphore(%run_scoped3A : memref<!tpu.dma_semaphore, #tpu.memory_space<semaphore_mem>>) src(%dma_wait3A_459 : memref<16384xf32, #tpu.memory_space<vmem_shared>>) dst(%dma_wait3A_458 : memref<16384xf32, #tpu.memory_space<hbm>>)
          tpu.yield
        }) : () -> ()
      } else {
      }
      %eq3A_447 = arith.constant 1 : i32
      %eq3A_448 = arith.cmpi eq, %arg0, %eq3A_447 : i32
      %convert_element_type3A_449 = arith.extui %eq3A_448 : i1 to i32
      %cond3A_450 = arith.constant 0 : i32
      %cond3A_451 = arith.cmpi ne, %convert_element_type3A_449, %cond3A_450 : i32
      scf.if %cond3A_451 {
        "tpu.region"() ({
          %run_scoped3A = tpu.sem_alloc : memref<!tpu.dma_semaphore, #tpu.memory_space<semaphore_mem>>
          %dma_start3A_452 = arith.constant 0 : i32
          %dma_start3A_453 = tpu.memref_slice %arg6[%add3A_428, %dma_start3A_452] : memref<119x16384xf32, #tpu.memory_space<hbm>> -> memref<1x16384xf32, #tpu.memory_space<hbm>>
          %dma_start3A_454 = tpu.memref_squeeze %dma_start3A_453 : memref<1x16384xf32, #tpu.memory_space<hbm>> -> memref<16384xf32, #tpu.memory_space<hbm>>
          %dma_start3A_455 = tpu.memref_slice %arg15[%mul3A_442] : memref<1949696xf32, #tpu.memory_space<vmem_shared>> -> memref<16384xf32, #tpu.memory_space<vmem_shared>>
          tpu.enqueue_dma source(%dma_start3A_455 : memref<16384xf32, #tpu.memory_space<vmem_shared>>) target(%dma_start3A_454 : memref<16384xf32, #tpu.memory_space<hbm>>) target_semaphore(%run_scoped3A : memref<!tpu.dma_semaphore, #tpu.memory_space<semaphore_mem>>)
          %dma_wait3A_456 = arith.constant 0 : i32
          %dma_wait3A_457 = tpu.memref_slice %arg6[%add3A_428, %dma_wait3A_456] : memref<119x16384xf32, #tpu.memory_space<hbm>> -> memref<1x16384xf32, #tpu.memory_space<hbm>>
          %dma_wait3A_458 = tpu.memref_squeeze %dma_wait3A_457 : memref<1x16384xf32, #tpu.memory_space<hbm>> -> memref<16384xf32, #tpu.memory_space<hbm>>
          %dma_wait3A_459 = tpu.memref_slice %arg15[%mul3A_442] : memref<1949696xf32, #tpu.memory_space<vmem_shared>> -> memref<16384xf32, #tpu.memory_space<vmem_shared>>
          tpu.wait_dma2 semaphore(%run_scoped3A : memref<!tpu.dma_semaphore, #tpu.memory_space<semaphore_mem>>) src(%dma_wait3A_459 : memref<16384xf32, #tpu.memory_space<vmem_shared>>) dst(%dma_wait3A_458 : memref<16384xf32, #tpu.memory_space<hbm>>)
          tpu.yield
        }) : () -> ()
      } else {
      }
    } else {
    }
    %add3A_434 = arith.constant 112 : i32
    %add3A_435 = arith.addi %add3A_434, %arg1 : i32
    %lt3A_436 = arith.constant 119 : i32
    %lt3A_437 = arith.cmpi slt, %add3A_435, %lt3A_436 : i32
    %convert_element_type3A_438 = arith.extui %lt3A_437 : i1 to i32
    %cond3A_439 = arith.constant 0 : i32
    %cond3A_440 = arith.cmpi ne, %convert_element_type3A_438, %cond3A_439 : i32
    scf.if %cond3A_440 {
      %mul3A_441 = arith.constant 16384 : i32
      %mul3A_442 = arith.muli %add3A_435, %mul3A_441 : i32
      %eq3A = arith.constant 0 : i32
      %eq3A_443 = arith.cmpi eq, %arg0, %eq3A : i32
      %convert_element_type3A_444 = arith.extui %eq3A_443 : i1 to i32
      %cond3A_445 = arith.constant 0 : i32
      %cond3A_446 = arith.cmpi ne, %convert_element_type3A_444, %cond3A_445 : i32
      scf.if %cond3A_446 {
        "tpu.region"() ({
          %run_scoped3A = tpu.sem_alloc : memref<!tpu.dma_semaphore, #tpu.memory_space<semaphore_mem>>
          %dma_start3A_452 = arith.constant 0 : i32
          %dma_start3A_453 = tpu.memref_slice %arg5[%add3A_435, %dma_start3A_452] : memref<119x16384xf32, #tpu.memory_space<hbm>> -> memref<1x16384xf32, #tpu.memory_space<hbm>>
          %dma_start3A_454 = tpu.memref_squeeze %dma_start3A_453 : memref<1x16384xf32, #tpu.memory_space<hbm>> -> memref<16384xf32, #tpu.memory_space<hbm>>
          %dma_start3A_455 = tpu.memref_slice %arg15[%mul3A_442] : memref<1949696xf32, #tpu.memory_space<vmem_shared>> -> memref<16384xf32, #tpu.memory_space<vmem_shared>>
          tpu.enqueue_dma source(%dma_start3A_455 : memref<16384xf32, #tpu.memory_space<vmem_shared>>) target(%dma_start3A_454 : memref<16384xf32, #tpu.memory_space<hbm>>) target_semaphore(%run_scoped3A : memref<!tpu.dma_semaphore, #tpu.memory_space<semaphore_mem>>)
          %dma_wait3A_456 = arith.constant 0 : i32
          %dma_wait3A_457 = tpu.memref_slice %arg5[%add3A_435, %dma_wait3A_456] : memref<119x16384xf32, #tpu.memory_space<hbm>> -> memref<1x16384xf32, #tpu.memory_space<hbm>>
          %dma_wait3A_458 = tpu.memref_squeeze %dma_wait3A_457 : memref<1x16384xf32, #tpu.memory_space<hbm>> -> memref<16384xf32, #tpu.memory_space<hbm>>
          %dma_wait3A_459 = tpu.memref_slice %arg15[%mul3A_442] : memref<1949696xf32, #tpu.memory_space<vmem_shared>> -> memref<16384xf32, #tpu.memory_space<vmem_shared>>
          tpu.wait_dma2 semaphore(%run_scoped3A : memref<!tpu.dma_semaphore, #tpu.memory_space<semaphore_mem>>) src(%dma_wait3A_459 : memref<16384xf32, #tpu.memory_space<vmem_shared>>) dst(%dma_wait3A_458 : memref<16384xf32, #tpu.memory_space<hbm>>)
          tpu.yield
        }) : () -> ()
      } else {
      }
      %eq3A_447 = arith.constant 1 : i32
      %eq3A_448 = arith.cmpi eq, %arg0, %eq3A_447 : i32
      %convert_element_type3A_449 = arith.extui %eq3A_448 : i1 to i32
      %cond3A_450 = arith.constant 0 : i32
      %cond3A_451 = arith.cmpi ne, %convert_element_type3A_449, %cond3A_450 : i32
      scf.if %cond3A_451 {
        "tpu.region"() ({
          %run_scoped3A = tpu.sem_alloc : memref<!tpu.dma_semaphore, #tpu.memory_space<semaphore_mem>>
          %dma_start3A_452 = arith.constant 0 : i32
          %dma_start3A_453 = tpu.memref_slice %arg6[%add3A_435, %dma_start3A_452] : memref<119x16384xf32, #tpu.memory_space<hbm>> -> memref<1x16384xf32, #tpu.memory_space<hbm>>
          %dma_start3A_454 = tpu.memref_squeeze %dma_start3A_453 : memref<1x16384xf32, #tpu.memory_space<hbm>> -> memref<16384xf32, #tpu.memory_space<hbm>>
          %dma_start3A_455 = tpu.memref_slice %arg15[%mul3A_442] : memref<1949696xf32, #tpu.memory_space<vmem_shared>> -> memref<16384xf32, #tpu.memory_space<vmem_shared>>
          tpu.enqueue_dma source(%dma_start3A_455 : memref<16384xf32, #tpu.memory_space<vmem_shared>>) target(%dma_start3A_454 : memref<16384xf32, #tpu.memory_space<hbm>>) target_semaphore(%run_scoped3A : memref<!tpu.dma_semaphore, #tpu.memory_space<semaphore_mem>>)
          %dma_wait3A_456 = arith.constant 0 : i32
          %dma_wait3A_457 = tpu.memref_slice %arg6[%add3A_435, %dma_wait3A_456] : memref<119x16384xf32, #tpu.memory_space<hbm>> -> memref<1x16384xf32, #tpu.memory_space<hbm>>
          %dma_wait3A_458 = tpu.memref_squeeze %dma_wait3A_457 : memref<1x16384xf32, #tpu.memory_space<hbm>> -> memref<16384xf32, #tpu.memory_space<hbm>>
          %dma_wait3A_459 = tpu.memref_slice %arg15[%mul3A_442] : memref<1949696xf32, #tpu.memory_space<vmem_shared>> -> memref<16384xf32, #tpu.memory_space<vmem_shared>>
          tpu.wait_dma2 semaphore(%run_scoped3A : memref<!tpu.dma_semaphore, #tpu.memory_space<semaphore_mem>>) src(%dma_wait3A_459 : memref<16384xf32, #tpu.memory_space<vmem_shared>>) dst(%dma_wait3A_458 : memref<16384xf32, #tpu.memory_space<hbm>>)
          tpu.yield
        }) : () -> ()
      } else {
      }
    } else {
    }
    return
  }
}

module attributes {stable_mosaic.version = 14 : i64} {
  func.func @_fused_body(%arg0: memref<119x16384xf32, #tpu.memory_space<hbm>>, %arg1: memref<119x16384xf32, #tpu.memory_space<hbm>>, %arg2: memref<119x64xf32, #tpu.memory_space<vmem>>, %arg3: memref<64x16384xf32, #tpu.memory_space<vmem>>, %arg4: memref<2x119x8192xf32, #tpu.memory_space<vmem>>, %arg5: memref<2x119x8192xf32, #tpu.memory_space<vmem>>, %arg6: memref<2x2x!tpu.dma_semaphore, #tpu.memory_space<semaphore_mem>>) attributes {dimension_semantics = [], scalar_prefetch = 0 : i64, scratch_operands = 3 : i64, tpu.core_type = #tpu.core_type<tc>} {
    %dma_start3A = arith.constant 0 : i32
    %dma_start3A_0 = arith.constant 0 : i32
    %dma_start3A_1 = arith.constant 0 : i32
    %dma_start3A_2 = tpu.memref_slice %arg6[%dma_start3A_0, %dma_start3A_1] : memref<2x2x!tpu.dma_semaphore, #tpu.memory_space<semaphore_mem>> -> memref<1x1x!tpu.dma_semaphore, #tpu.memory_space<semaphore_mem>>
    %dma_start3A_3 = tpu.memref_squeeze %dma_start3A_2 : memref<1x1x!tpu.dma_semaphore, #tpu.memory_space<semaphore_mem>> -> memref<!tpu.dma_semaphore, #tpu.memory_space<semaphore_mem>>
    %dma_start3A_4 = arith.constant 0 : i32
    %dma_start3A_5 = arith.constant 0 : i32
    %dma_start3A_6 = tpu.memref_slice %arg4[%dma_start3A, %dma_start3A_4, %dma_start3A_5] : memref<2x119x8192xf32, #tpu.memory_space<vmem>> -> memref<1x119x8192xf32, #tpu.memory_space<vmem>>
    %dma_start3A_7 = tpu.memref_squeeze %dma_start3A_6 : memref<1x119x8192xf32, #tpu.memory_space<vmem>> -> memref<119x8192xf32, #tpu.memory_space<vmem>>
    %dma_start3A_8 = arith.constant 0 : i32
    %dma_start3A_9 = arith.constant 0 : i32
    %dma_start3A_10 = tpu.memref_slice %arg0[%dma_start3A_8, %dma_start3A_9] : memref<119x16384xf32, #tpu.memory_space<hbm>> -> memref<119x8192xf32, #tpu.memory_space<hbm>>
    tpu.enqueue_dma source(%dma_start3A_10 : memref<119x8192xf32, #tpu.memory_space<hbm>>) target(%dma_start3A_7 : memref<119x8192xf32, #tpu.memory_space<vmem>>) target_semaphore(%dma_start3A_3 : memref<!tpu.dma_semaphore, #tpu.memory_space<semaphore_mem>>)
    %dma_start3A_11 = arith.constant 0 : i32
    %dma_start3A_12 = arith.constant 0 : i32
    %dma_start3A_13 = arith.constant 1 : i32
    %dma_start3A_14 = tpu.memref_slice %arg6[%dma_start3A_12, %dma_start3A_13] : memref<2x2x!tpu.dma_semaphore, #tpu.memory_space<semaphore_mem>> -> memref<1x1x!tpu.dma_semaphore, #tpu.memory_space<semaphore_mem>>
    %dma_start3A_15 = tpu.memref_squeeze %dma_start3A_14 : memref<1x1x!tpu.dma_semaphore, #tpu.memory_space<semaphore_mem>> -> memref<!tpu.dma_semaphore, #tpu.memory_space<semaphore_mem>>
    %dma_start3A_16 = arith.constant 0 : i32
    %dma_start3A_17 = arith.constant 0 : i32
    %dma_start3A_18 = tpu.memref_slice %arg5[%dma_start3A_11, %dma_start3A_16, %dma_start3A_17] : memref<2x119x8192xf32, #tpu.memory_space<vmem>> -> memref<1x119x8192xf32, #tpu.memory_space<vmem>>
    %dma_start3A_19 = tpu.memref_squeeze %dma_start3A_18 : memref<1x119x8192xf32, #tpu.memory_space<vmem>> -> memref<119x8192xf32, #tpu.memory_space<vmem>>
    %dma_start3A_20 = arith.constant 0 : i32
    %dma_start3A_21 = arith.constant 0 : i32
    %dma_start3A_22 = tpu.memref_slice %arg1[%dma_start3A_20, %dma_start3A_21] : memref<119x16384xf32, #tpu.memory_space<hbm>> -> memref<119x8192xf32, #tpu.memory_space<hbm>>
    tpu.enqueue_dma source(%dma_start3A_22 : memref<119x8192xf32, #tpu.memory_space<hbm>>) target(%dma_start3A_19 : memref<119x8192xf32, #tpu.memory_space<vmem>>) target_semaphore(%dma_start3A_15 : memref<!tpu.dma_semaphore, #tpu.memory_space<semaphore_mem>>)
    %dma_wait3A = arith.constant 0 : i32
    %dma_wait3A_23 = arith.constant 0 : i32
    %dma_wait3A_24 = arith.constant 0 : i32
    %dma_wait3A_25 = tpu.memref_slice %arg6[%dma_wait3A_23, %dma_wait3A_24] : memref<2x2x!tpu.dma_semaphore, #tpu.memory_space<semaphore_mem>> -> memref<1x1x!tpu.dma_semaphore, #tpu.memory_space<semaphore_mem>>
    %dma_wait3A_26 = tpu.memref_squeeze %dma_wait3A_25 : memref<1x1x!tpu.dma_semaphore, #tpu.memory_space<semaphore_mem>> -> memref<!tpu.dma_semaphore, #tpu.memory_space<semaphore_mem>>
    %dma_wait3A_27 = arith.constant 0 : i32
    %dma_wait3A_28 = arith.constant 0 : i32
    %dma_wait3A_29 = tpu.memref_slice %arg4[%dma_wait3A, %dma_wait3A_27, %dma_wait3A_28] : memref<2x119x8192xf32, #tpu.memory_space<vmem>> -> memref<1x119x8192xf32, #tpu.memory_space<vmem>>
    %dma_wait3A_30 = tpu.memref_squeeze %dma_wait3A_29 : memref<1x119x8192xf32, #tpu.memory_space<vmem>> -> memref<119x8192xf32, #tpu.memory_space<vmem>>
    %dma_wait3A_31 = arith.constant 0 : i32
    %dma_wait3A_32 = arith.constant 0 : i32
    %dma_wait3A_33 = tpu.memref_slice %arg0[%dma_wait3A_31, %dma_wait3A_32] : memref<119x16384xf32, #tpu.memory_space<hbm>> -> memref<119x8192xf32, #tpu.memory_space<hbm>>
    tpu.wait_dma2 semaphore(%dma_wait3A_26 : memref<!tpu.dma_semaphore, #tpu.memory_space<semaphore_mem>>) src(%dma_wait3A_33 : memref<119x8192xf32, #tpu.memory_space<hbm>>) dst(%dma_wait3A_30 : memref<119x8192xf32, #tpu.memory_space<vmem>>)
    %dma_wait3A_34 = arith.constant 0 : i32
    %dma_wait3A_35 = arith.constant 0 : i32
    %dma_wait3A_36 = arith.constant 1 : i32
    %dma_wait3A_37 = tpu.memref_slice %arg6[%dma_wait3A_35, %dma_wait3A_36] : memref<2x2x!tpu.dma_semaphore, #tpu.memory_space<semaphore_mem>> -> memref<1x1x!tpu.dma_semaphore, #tpu.memory_space<semaphore_mem>>
    %dma_wait3A_38 = tpu.memref_squeeze %dma_wait3A_37 : memref<1x1x!tpu.dma_semaphore, #tpu.memory_space<semaphore_mem>> -> memref<!tpu.dma_semaphore, #tpu.memory_space<semaphore_mem>>
    %dma_wait3A_39 = arith.constant 0 : i32
    %dma_wait3A_40 = arith.constant 0 : i32
    %dma_wait3A_41 = tpu.memref_slice %arg5[%dma_wait3A_34, %dma_wait3A_39, %dma_wait3A_40] : memref<2x119x8192xf32, #tpu.memory_space<vmem>> -> memref<1x119x8192xf32, #tpu.memory_space<vmem>>
    %dma_wait3A_42 = tpu.memref_squeeze %dma_wait3A_41 : memref<1x119x8192xf32, #tpu.memory_space<vmem>> -> memref<119x8192xf32, #tpu.memory_space<vmem>>
    %dma_wait3A_43 = arith.constant 0 : i32
    %dma_wait3A_44 = arith.constant 0 : i32
    %dma_wait3A_45 = tpu.memref_slice %arg1[%dma_wait3A_43, %dma_wait3A_44] : memref<119x16384xf32, #tpu.memory_space<hbm>> -> memref<119x8192xf32, #tpu.memory_space<hbm>>
    tpu.wait_dma2 semaphore(%dma_wait3A_38 : memref<!tpu.dma_semaphore, #tpu.memory_space<semaphore_mem>>) src(%dma_wait3A_45 : memref<119x8192xf32, #tpu.memory_space<hbm>>) dst(%dma_wait3A_42 : memref<119x8192xf32, #tpu.memory_space<vmem>>)
    %dma_start3A_46 = arith.constant 1 : i32
    %dma_start3A_47 = arith.constant 1 : i32
    %dma_start3A_48 = arith.constant 0 : i32
    %dma_start3A_49 = tpu.memref_slice %arg6[%dma_start3A_47, %dma_start3A_48] : memref<2x2x!tpu.dma_semaphore, #tpu.memory_space<semaphore_mem>> -> memref<1x1x!tpu.dma_semaphore, #tpu.memory_space<semaphore_mem>>
    %dma_start3A_50 = tpu.memref_squeeze %dma_start3A_49 : memref<1x1x!tpu.dma_semaphore, #tpu.memory_space<semaphore_mem>> -> memref<!tpu.dma_semaphore, #tpu.memory_space<semaphore_mem>>
    %dma_start3A_51 = arith.constant 0 : i32
    %dma_start3A_52 = arith.constant 0 : i32
    %dma_start3A_53 = tpu.memref_slice %arg4[%dma_start3A_46, %dma_start3A_51, %dma_start3A_52] : memref<2x119x8192xf32, #tpu.memory_space<vmem>> -> memref<1x119x8192xf32, #tpu.memory_space<vmem>>
    %dma_start3A_54 = tpu.memref_squeeze %dma_start3A_53 : memref<1x119x8192xf32, #tpu.memory_space<vmem>> -> memref<119x8192xf32, #tpu.memory_space<vmem>>
    %dma_start3A_55 = arith.constant 0 : i32
    %dma_start3A_56 = arith.constant 8192 : i32
    %dma_start3A_57 = tpu.memref_slice %arg0[%dma_start3A_55, %dma_start3A_56] : memref<119x16384xf32, #tpu.memory_space<hbm>> -> memref<119x8192xf32, #tpu.memory_space<hbm>>
    tpu.enqueue_dma source(%dma_start3A_57 : memref<119x8192xf32, #tpu.memory_space<hbm>>) target(%dma_start3A_54 : memref<119x8192xf32, #tpu.memory_space<vmem>>) target_semaphore(%dma_start3A_50 : memref<!tpu.dma_semaphore, #tpu.memory_space<semaphore_mem>>)
    %dma_start3A_58 = arith.constant 1 : i32
    %dma_start3A_59 = arith.constant 1 : i32
    %dma_start3A_60 = arith.constant 1 : i32
    %dma_start3A_61 = tpu.memref_slice %arg6[%dma_start3A_59, %dma_start3A_60] : memref<2x2x!tpu.dma_semaphore, #tpu.memory_space<semaphore_mem>> -> memref<1x1x!tpu.dma_semaphore, #tpu.memory_space<semaphore_mem>>
    %dma_start3A_62 = tpu.memref_squeeze %dma_start3A_61 : memref<1x1x!tpu.dma_semaphore, #tpu.memory_space<semaphore_mem>> -> memref<!tpu.dma_semaphore, #tpu.memory_space<semaphore_mem>>
    %dma_start3A_63 = arith.constant 0 : i32
    %dma_start3A_64 = arith.constant 0 : i32
    %dma_start3A_65 = tpu.memref_slice %arg5[%dma_start3A_58, %dma_start3A_63, %dma_start3A_64] : memref<2x119x8192xf32, #tpu.memory_space<vmem>> -> memref<1x119x8192xf32, #tpu.memory_space<vmem>>
    %dma_start3A_66 = tpu.memref_squeeze %dma_start3A_65 : memref<1x119x8192xf32, #tpu.memory_space<vmem>> -> memref<119x8192xf32, #tpu.memory_space<vmem>>
    %dma_start3A_67 = arith.constant 0 : i32
    %dma_start3A_68 = arith.constant 8192 : i32
    %dma_start3A_69 = tpu.memref_slice %arg1[%dma_start3A_67, %dma_start3A_68] : memref<119x16384xf32, #tpu.memory_space<hbm>> -> memref<119x8192xf32, #tpu.memory_space<hbm>>
    tpu.enqueue_dma source(%dma_start3A_69 : memref<119x8192xf32, #tpu.memory_space<hbm>>) target(%dma_start3A_66 : memref<119x8192xf32, #tpu.memory_space<vmem>>) target_semaphore(%dma_start3A_62 : memref<!tpu.dma_semaphore, #tpu.memory_space<semaphore_mem>>)
    %get3A = arith.constant 0 : index
    %get3A_70 = arith.constant 0 : index
    %get3A_71 = arith.constant 0 : index
    %get3A_72 = vector.load %arg4[%get3A, %get3A_70, %get3A_71] : memref<2x119x8192xf32, #tpu.memory_space<vmem>>, vector<1x119x8192xf32>
    %get3A_73 = vector.shape_cast %get3A_72 : vector<1x119x8192xf32> to vector<119x8192xf32>
    %get3A_74 = arith.constant 0 : index
    %get3A_75 = arith.constant 0 : index
    %get3A_76 = arith.constant 0 : index
    %get3A_77 = vector.load %arg5[%get3A_74, %get3A_75, %get3A_76] : memref<2x119x8192xf32, #tpu.memory_space<vmem>>, vector<1x119x8192xf32>
    %get3A_78 = vector.shape_cast %get3A_77 : vector<1x119x8192xf32> to vector<119x8192xf32>
    %add3A = arith.addf %get3A_73, %get3A_78 : vector<119x8192xf32>
    %get3A_79 = arith.constant 0 : index
    %get3A_80 = arith.constant 0 : index
    %get3A_81 = vector.load %arg2[%get3A_79, %get3A_80] : memref<119x64xf32, #tpu.memory_space<vmem>>, vector<119x64xf32>
    %dot_general3A = arith.constant dense<0.000000e+00> : vector<64x8192xf32>
    %dot_general3A_82 = tpu.matmul %get3A_81, %add3A, %dot_general3A {dimension_numbers = #tpu.dot_dimension_numbers<[0], [0], [1], [1], [0, 1, 1, 1], [], []>, transpose_lhs_hint = false} : vector<119x64xf32>, vector<119x8192xf32>, vector<64x8192xf32> -> vector<64x8192xf32>
    %swap3A = arith.constant 0 : index
    %swap3A_83 = arith.constant 0 : index
    %swap3A_84 = vector.load %arg3[%swap3A, %swap3A_83] : memref<64x16384xf32, #tpu.memory_space<vmem>>, vector<64x8192xf32>
    tpu.vector_store %arg3[%swap3A, %swap3A_83], %dot_general3A_82 {strides = array<i32>} : memref<64x16384xf32, #tpu.memory_space<vmem>>, vector<64x8192xf32>,
    %dma_wait3A_85 = arith.constant 1 : i32
    %dma_wait3A_86 = arith.constant 1 : i32
    %dma_wait3A_87 = arith.constant 0 : i32
    %dma_wait3A_88 = tpu.memref_slice %arg6[%dma_wait3A_86, %dma_wait3A_87] : memref<2x2x!tpu.dma_semaphore, #tpu.memory_space<semaphore_mem>> -> memref<1x1x!tpu.dma_semaphore, #tpu.memory_space<semaphore_mem>>
    %dma_wait3A_89 = tpu.memref_squeeze %dma_wait3A_88 : memref<1x1x!tpu.dma_semaphore, #tpu.memory_space<semaphore_mem>> -> memref<!tpu.dma_semaphore, #tpu.memory_space<semaphore_mem>>
    %dma_wait3A_90 = arith.constant 0 : i32
    %dma_wait3A_91 = arith.constant 0 : i32
    %dma_wait3A_92 = tpu.memref_slice %arg4[%dma_wait3A_85, %dma_wait3A_90, %dma_wait3A_91] : memref<2x119x8192xf32, #tpu.memory_space<vmem>> -> memref<1x119x8192xf32, #tpu.memory_space<vmem>>
    %dma_wait3A_93 = tpu.memref_squeeze %dma_wait3A_92 : memref<1x119x8192xf32, #tpu.memory_space<vmem>> -> memref<119x8192xf32, #tpu.memory_space<vmem>>
    %dma_wait3A_94 = arith.constant 0 : i32
    %dma_wait3A_95 = arith.constant 8192 : i32
    %dma_wait3A_96 = tpu.memref_slice %arg0[%dma_wait3A_94, %dma_wait3A_95] : memref<119x16384xf32, #tpu.memory_space<hbm>> -> memref<119x8192xf32, #tpu.memory_space<hbm>>
    tpu.wait_dma2 semaphore(%dma_wait3A_89 : memref<!tpu.dma_semaphore, #tpu.memory_space<semaphore_mem>>) src(%dma_wait3A_96 : memref<119x8192xf32, #tpu.memory_space<hbm>>) dst(%dma_wait3A_93 : memref<119x8192xf32, #tpu.memory_space<vmem>>)
    %dma_wait3A_97 = arith.constant 1 : i32
    %dma_wait3A_98 = arith.constant 1 : i32
    %dma_wait3A_99 = arith.constant 1 : i32
    %dma_wait3A_100 = tpu.memref_slice %arg6[%dma_wait3A_98, %dma_wait3A_99] : memref<2x2x!tpu.dma_semaphore, #tpu.memory_space<semaphore_mem>> -> memref<1x1x!tpu.dma_semaphore, #tpu.memory_space<semaphore_mem>>
    %dma_wait3A_101 = tpu.memref_squeeze %dma_wait3A_100 : memref<1x1x!tpu.dma_semaphore, #tpu.memory_space<semaphore_mem>> -> memref<!tpu.dma_semaphore, #tpu.memory_space<semaphore_mem>>
    %dma_wait3A_102 = arith.constant 0 : i32
    %dma_wait3A_103 = arith.constant 0 : i32
    %dma_wait3A_104 = tpu.memref_slice %arg5[%dma_wait3A_97, %dma_wait3A_102, %dma_wait3A_103] : memref<2x119x8192xf32, #tpu.memory_space<vmem>> -> memref<1x119x8192xf32, #tpu.memory_space<vmem>>
    %dma_wait3A_105 = tpu.memref_squeeze %dma_wait3A_104 : memref<1x119x8192xf32, #tpu.memory_space<vmem>> -> memref<119x8192xf32, #tpu.memory_space<vmem>>
    %dma_wait3A_106 = arith.constant 0 : i32
    %dma_wait3A_107 = arith.constant 8192 : i32
    %dma_wait3A_108 = tpu.memref_slice %arg1[%dma_wait3A_106, %dma_wait3A_107] : memref<119x16384xf32, #tpu.memory_space<hbm>> -> memref<119x8192xf32, #tpu.memory_space<hbm>>
    tpu.wait_dma2 semaphore(%dma_wait3A_101 : memref<!tpu.dma_semaphore, #tpu.memory_space<semaphore_mem>>) src(%dma_wait3A_108 : memref<119x8192xf32, #tpu.memory_space<hbm>>) dst(%dma_wait3A_105 : memref<119x8192xf32, #tpu.memory_space<vmem>>)
    %get3A_109 = arith.constant 1 : index
    %get3A_110 = arith.constant 0 : index
    %get3A_111 = arith.constant 0 : index
    %get3A_112 = vector.load %arg4[%get3A_109, %get3A_110, %get3A_111] : memref<2x119x8192xf32, #tpu.memory_space<vmem>>, vector<1x119x8192xf32>
    %get3A_113 = vector.shape_cast %get3A_112 : vector<1x119x8192xf32> to vector<119x8192xf32>
    %get3A_114 = arith.constant 1 : index
    %get3A_115 = arith.constant 0 : index
    %get3A_116 = arith.constant 0 : index
    %get3A_117 = vector.load %arg5[%get3A_114, %get3A_115, %get3A_116] : memref<2x119x8192xf32, #tpu.memory_space<vmem>>, vector<1x119x8192xf32>
    %get3A_118 = vector.shape_cast %get3A_117 : vector<1x119x8192xf32> to vector<119x8192xf32>
    %add3A_119 = arith.addf %get3A_113, %get3A_118 : vector<119x8192xf32>
    %get3A_120 = arith.constant 0 : index
    %get3A_121 = arith.constant 0 : index
    %get3A_122 = vector.load %arg2[%get3A_120, %get3A_121] : memref<119x64xf32, #tpu.memory_space<vmem>>, vector<119x64xf32>
    %dot_general3A_123 = arith.constant dense<0.000000e+00> : vector<64x8192xf32>
    %dot_general3A_124 = tpu.matmul %get3A_122, %add3A_119, %dot_general3A_123 {dimension_numbers = #tpu.dot_dimension_numbers<[0], [0], [1], [1], [0, 1, 1, 1], [], []>, transpose_lhs_hint = false} : vector<119x64xf32>, vector<119x8192xf32>, vector<64x8192xf32> -> vector<64x8192xf32>
    %swap3A_125 = arith.constant 0 : index
    %swap3A_126 = arith.constant 8192 : index
    %swap3A_127 = vector.load %arg3[%swap3A_125, %swap3A_126] : memref<64x16384xf32, #tpu.memory_space<vmem>>, vector<64x8192xf32>
    tpu.vector_store %arg3[%swap3A_125, %swap3A_126], %dot_general3A_124 {strides = array<i32>} : memref<64x16384xf32, #tpu.memory_space<vmem>>, vector<64x8192xf32>,
    return
  }
}

</mosaic_0001>

<sc_bundles>
// kernel: kernel.4.cloned.1.call-start
scs
__scs_entry_jumppad:
0x0: {  	(pc) =	sbr.rel $0x88, $3  }
0x1: {  	(tag) =	ssettag $0x0;
	lr =	simm.s32 $0x1  }
0x2: {  	[smem:$0x3F9E] =	sst lr;
	_ =	strace $0xD0000000  }
0x3: {  	_ = 	snop  }
0x4: {  	_ = 	snop  }
0x5: {  	_ = 	snop  }
0x6: {  	_ = 	snop  }
0x7: {  	_ = 	snop  }
__scs_overlays_trampoline_lowered:
0x8: {  	[smem:$0x3FAD] =	sst s0  }
0x9: {  	[smem:$0x3FAE] =	sst s1  }
0xa: {  	[smem:$0x3FAF] =	sst s2  }
0xb: {  	[smem:$0x3FB0] =	sst s3  }
0xc: {  	[smem:$0x3FB1] =	sst s4  }
0xd: {  	[smem:$0x3FB2] =	sst s5  }
0xe: {  	[smem:$0x3FB3] =	sst s6  }
0xf: {  	[smem:$0x3FB4] =	sst s7  }
0x10: {  	[smem:$0x3FB5] =	sst s8  }
0x11: {  	[smem:$0x3FB6] =	sst s9;
	s0 =	simm.s32 @!p0 $0x0  }
0x12: {  	s1 =	sld [smem:$0x3F9C];
	s0 =	simm.s32 @p0 $0x1  }
0x13: {  	[smem:$0x3FB7] =	sst s0;
	s0 =	simm.s32 @!p1 $0x0  }
0x14: {  	s2 =	sld [smem:$0x3F9B];
	s0 =	simm.s32 @p1 $0x1  }
0x15: {  	[smem:$0x3FB8] =	sst s0;
	s0 =	simm.s32 @!p2 $0x0  }
0x16: {  	s3 =	sld [smem:$0x3FDB];
	s0 =	simm.s32 @p2 $0x1  }
0x17: {  	s4 =	simm.s32 $0x1BF5;
	[smem:$0x3FBA] =	sst s0  }
0x18: {  	s0 =	sld [smem:$0x3F9D];
	_ =	swait.ge [sflag:s4], $0x0  }
0x19: {  	s7 =	sld [smem:$0x3F9E]  }
0x1a: {  	s8 =	sadd.s32 $0xFFFFE003, lr  }
0x1b: {  	s9 =	sadd.s32 $0xFFFFFEF7, lr;
	s5 =	simm.s32 $0xFFFFFFFF;
	p2 =	slt.u32 s8, $0xFFFFF086  }
0x1c: {  	p1 =	slt.u32 s9, $0xF7A;
	s5 =	simm.s32 @!p2 $0x0  }
0x1d: {  	s5 =	simm.s32 @p1 $0x1;
	p0 =	seq.s32 s7, s2  }
0x1e: {  	s7 =	smul.u32 @!p0 $0xF7A, s2;
	p2 =	seq.s32 @!p0 s5, $0x0  }
0x1f: {  	s9 =	smul.u32 $0xF7A, s1;
	s8 =	simm.s32 @!p0 $0x1BF5;
	p2 =	por !p2, p0  }
0x20: {  	[sflag:s8] =	ssyncset.s32 @!p0 $0xFFFFF086;
	s6 =	sadd.s32 @!p0 s3, s7;
	s7 =	simm.s32 @!p0 $0x108  }
0x21: {  	s3 =	sadd.s32 s3, s9;
	s6 =	sadd.s32 @!p0 $0x88, s6;
	s7 =	simm.s32 @p2 $0x1082  }
0x22: {  	[simem:s7], [sflag:s8] =	dma.local @!p0 [hbm:s6], $0xF7A  }
0x23: {  	s9 =	sor.u32 $0xD0000000, s2;
	s6 =	simm.s32 $0x108;
	_ =	swait.ge @!p0 [sflag:s8], $0x0  }
0x24: {  	s3 =	sadd.s32 $0x88, s3;
	s6 =	simm.s32 @!p1 $0x1082;
	[sflag:s4] =	ssyncset.s32 $0xFFFFF086  }
0x25: {  	[simem:s6], [sflag:s4] =	dma.local [hbm:s3], $0xF7A  }
0x26: {  	[smem:$0x3F9E] =	sst s1;
	(tag) =	ssettag s2;
	_ =	strace s9  }
0x27: {  	s1 =	sld [smem:$0x3FAE]  }
0x28: {  	s2 =	sld [smem:$0x3FAF]  }
0x29: {  	s4 =	sld [smem:$0x3FB1]  }
0x2a: {  	p0 =	seq.s32 s5, $0x0;
	s5 =	sld [smem:$0x3FB2]  }
0x2b: {  	s6 =	sld [smem:$0x3FB3]  }
0x2c: {  	s7 =	sld [smem:$0x3FB4]  }
0x2d: {  	s3 =	simm.s32 $0x108;
	s8 =	sld [smem:$0x3FB5]  }
0x2e: {  	s3 =	simm.s32 @!p0 $0x1082;
	s9 =	sld [smem:$0x3FB6]  }
0x2f: {  	lr =	sadd.s32 s0, s3;
	s0 =	sld [smem:$0x3FAD]  }
0x30: {  	s3 =	sld [smem:$0x3FB0]  }
0x31: {  	[smem:$0x3FB9] =	sst s10  }
0x32: {  	s10 =	sld [smem:$0x3FB7];
	_ =	sdelay $0x3  }
0x33: {  	p0 =	seq.s32 s10, $0x1;
	s10 =	sld [smem:$0x3FB9];
	_ =	sdelay $0x3  }
0x34: {  	[smem:$0x3FB9] =	sst s10  }
0x35: {  	s10 =	sld [smem:$0x3FB8];
	_ =	sdelay $0x3  }
0x36: {  	p1 =	seq.s32 s10, $0x1;
	s10 =	sld [smem:$0x3FB9];
	_ =	sdelay $0x3  }
0x37: {  	[smem:$0x3FB9] =	sst s10  }
0x38: {  	s10 =	sld [smem:$0x3FBA]  }
0x39: {  	_ = 	snop;
	(pc) =	sbr.ind lr, $3  }
0x3a: {  	_ = 	snop  }
0x3b: {  	_ = 	snop  }
0x3c: {  	p2 =	seq.s32 s10, $0x1;
	s10 =	sld [smem:$0x3FB9]  }
0x3d: {  	_ =	shalt  }
0x3e: {  	_ =	shalt  }
0x3f: {  	_ =	shalt  }
0x40: {  	_ =	shalt  }
0x41: {  	_ =	shalt  }
0x42: {  	_ =	shalt  }
0x43: {  	_ =	shalt  }
0x44: {  	_ =	shalt  }
0x45: {  	_ =	shalt  }
0x46: {  	_ =	shalt  }
0x47: {  	_ =	shalt  }
0x48: {  	_ =	shalt  }
0x49: {  	_ =	shalt  }
0x4a: {  	_ =	shalt  }
0x4b: {  	_ =	shalt  }
0x4c: {  	_ =	shalt  }
0x4d: {  	_ =	shalt  }
0x4e: {  	_ =	shalt  }
0x4f: {  	_ =	shalt  }
0x50: {  	_ =	shalt  }
0x51: {  	_ =	shalt  }
0x52: {  	_ =	shalt  }
0x53: {  	_ =	shalt  }
0x54: {  	_ =	shalt  }
0x55: {  	_ =	shalt  }
0x56: {  	_ =	shalt  }
0x57: {  	_ =	shalt  }
0x58: {  	_ =	shalt  }
0x59: {  	_ =	shalt  }
0x5a: {  	_ =	shalt  }
0x5b: {  	_ =	shalt  }
0x5c: {  	_ =	shalt  }
0x5d: {  	_ =	shalt  }
0x5e: {  	_ =	shalt  }
0x5f: {  	_ =	shalt  }
0x60: {  	_ =	shalt  }
0x61: {  	_ =	shalt  }
0x62: {  	_ =	shalt  }
0x63: {  	_ =	shalt  }
0x64: {  	_ =	shalt  }
0x65: {  	_ =	shalt  }
0x66: {  	_ =	shalt  }
0x67: {  	_ =	shalt  }
0x68: {  	_ =	shalt  }
0x69: {  	_ =	shalt  }
0x6a: {  	_ =	shalt  }
0x6b: {  	_ =	shalt  }
0x6c: {  	_ =	shalt  }
0x6d: {  	_ =	shalt  }
0x6e: {  	_ =	shalt  }
0x6f: {  	_ =	shalt  }
0x70: {  	_ =	shalt  }
0x71: {  	_ =	shalt  }
0x72: {  	_ =	shalt  }
0x73: {  	_ =	shalt  }
0x74: {  	_ =	shalt  }
0x75: {  	_ =	shalt  }
0x76: {  	_ =	shalt  }
0x77: {  	_ =	shalt  }
0x78: {  	_ =	shalt  }
0x79: {  	_ =	shalt  }
0x7a: {  	_ =	shalt  }
0x7b: {  	_ =	shalt  }
0x7c: {  	_ =	shalt  }
0x7d: {  	_ =	shalt  }
0x7e: {  	_ =	shalt  }
0x7f: {  	_ =	shalt  }
0x80: {  	_ =	shalt  }
0x81: {  	_ =	shalt  }
0x82: {  	_ =	shalt  }
0x83: {  	_ =	shalt  }
0x84: {  	_ =	shalt  }
0x85: {  	_ =	shalt  }
0x86: {  	_ =	shalt  }
0x87: {  	_ =	shalt  }
.Lfunc_end0:
.L_simem_size_0:
called_computation_lowered:
.L_overlay_start_0:
0x88: {  	s2 =	sld [smem:$0x3FD9]  }
0x89: {  	s3 =	sld [smem:$0x3FFE];
	_ =	sdelay $0x1  }
0x8a: {  	s1 =	srdreg.scid  }
0x8b: {  	s0 =	sand.u32 $0x1, s1  }
0x8c: {  	s17 =	sshll.u32 s0, $0xA;
	s2 =	sadd.s32 s3, s2  }
0x8d: {  	s2 =	sadd.s32 s2, s17  }
0x8e: {  	[smem:$0x3FC5] =	sst s2  }
0x8f: {  	_ = 	snop  }
0x90: {  	s2 =	sld [smem:$0x3FD0];
	(tm) =	ssettm $0x1  }
0x91: {  	s18 =	sld [smem:$0x3FFB];
	_ =	sdelay $0x3  }
0x92: {  	_ =	strace s18  }
0x93: {  	s3 =	sld [smem:$0x3FFC];
	_ =	sdelay $0x3  }
0x94: {  	_ =	strace s3  }
0x95: {  	s3 =	sld [smem:$0x3FFD];
	_ =	sdelay $0x3  }
0x96: {  	_ =	strace s3  }
0x97: {  	_ =	strace $0x8FFFFFFF  }
0x98: {  	s19 =	sld [smem:$0x3FDB];
	_ =	sdelay $0x1  }
0x99: {  	s4 =	simm.s32 $_scs_section_size  }
0x9a: {  	s5 =	simm.s32 $_size__tile_overlayer_lowered;
	s6 =	simm.s32 $_tile_overlayer_lowered  }
0x9b: {  	s22 =	simm.s32 $0x1BFF;
	s21 =	sshll.u32 s6, $0x1;
	s3 =	sadd.s32 s4, s19  }
0x9c: {  	s7 =	simm.s32 $0x0;
	s20 =	sshll.u32 s5, $0x1;
	s5 =	sadd.s32 s21, s3  }
0x9d: {  	[timem:s7], [sflag:s22] =	dma.local [hbm:s5], s20  }
0x9e: {  	_ =	swait.ge [sflag:s22], s20  }
0x9f: {  	s4 =	ssub.s32 $0x0, s20;
	[sflag:s22] =	ssyncset.done $0x0  }
0xa0: {  	[sflag:s22] =	ssyncadd.s32 s4;
	_ =	sdelay $0x1  }
0xa1: {  	s23 =	simm.s32 $0x1B8B  }
0xa2: {  	_ =	swait.ge [sflag:s23], $0x1  }
0xa3: {  	[sflag:s23] =	ssyncset.done $0x0  }
0xa4: {  	s25 =	simm.s32 $0x1B8E;
	s24 =	sld [smem:$0x3FFE];
	[sflag:s23] =	ssyncadd.s32 $0xFFFFFFFF  }
0xa5: {  	s26 =	simm.s32 $execute0_lowered;
	[smem:$0x3FD2] =	sst s25  }
0xa6: {  	s5 =	sshll.u32 s26, $0x1;
	_ =	strace $0x80000046;
	[dreg:$0x1] =	wrdreg $0xFFFFFFFF  }
0xa7: {  	s28 =	simm.s32 $_size_execute0_lowered;
	s3 =	sadd.s32 s3, s5;
	[dreg:$0x0] =	wrdreg $0x0  }
0xa8: {  	s5 =	sshll.u32 s28, $0x1;
	[dreg:$0x2] =	wrdreg s3  }
0xa9: {  	[dreg:$0x3] =	wrdreg s5  }
0xaa: {  	[dreg:$0x4] =	wrdreg $0xC0  }
0xab: {  	_ =	task [dreg:s7], $0x5FFFF  }
0xac: {  	[dreg:$0x1] =	wrdreg $0xFFFFFFFF  }
0xad: {  	[dreg:$0x0] =	wrdreg $0x60  }
0xae: {  	[dreg:$0x2] =	wrdreg s2  }
0xaf: {  	[dreg:$0x3] =	wrdreg s24  }
0xb0: {  	[dreg:$0x4] =	wrdreg $0x20000  }
0xb1: {  	[dreg:$0x5] =	wrdreg $0x9  }
0xb2: {  	_ =	task.clear_ibuf [dreg:s7], $0x6FFFF;
	_ =	strace $0x90000046  }
0xb3: {  	s29 =	simm.s32 $0x9;
	_ =	strace $0x80000048  }
0xb4: {  	_ =	swait.ge [sflag:s29], $0x1  }
0xb5: {  	[sflag:s29] =	ssyncadd.s32 $0xFFFFFFFF  }
0xb6: {  	_ =	strace $0x90000048  }
0xb7: {  	_ =	sfence  }
0xb8: {  	s30 =	sld [smem:$0x0];
	_ =	sdelay $0x2  }
0xb9: {  	s31 =	sshll.u32 s1, $0xD;
	s1 =	sshrl.u32 s1, $0x2  }
0xba: {  	s3 =	sand.u32 $0x4000, s31;
	s1 =	sadd.s32 s1, s30  }
0xbb: {  	s0 =	sor.u32 s3, s0;
	s1 =	sshll.u32 s1, $0x11  }
0xbc: {  	s0 =	sor.u32 s1, s0  }
0xbd: {  	s0 =	sadd.s32 $0x8F2B, s0  }
0xbe: {  	[sflag:s0] =	ssyncadd.remote.s32 $0x1  }
0xbf: {  	_ =	sfence.sel $0xFFFF  }
0xc0: {  	[dreg:$0x0] =	wrdreg $0xFFFFFFFF;
	(pc) =	sbr.abs _section_cstart, $3  }
0xc1: {  	[dreg:$0x1] =	wrdreg $0xFFFFFFFF  }
0xc2: {  	_ =	task.clear_ibuf [dreg:s7], $0x2FFFF;
	_ =	strace $0x9FFFFFFF  }
0xc3: {  	(tm) =	ssettm $0x7FFFFFFF  }
tec
execute0_lowered:
.L_overlay_start_1:
0x0: {  	(tag) =	ssettag $0x1  }
0x1: {  	s0 =	rddreg [dreg:$0x0]  }
0x2: {  	s3 =	rddreg [dreg:$0x1]  }
0x3: {  	s1 =	rddreg [dreg:$0x2];
	s2 =	simm.s32 $0x0;
	s4 =	srdreg.scid  }
0x4: {  	s15 =	stileid.u32;
	[smem:$0x7FF] =	sst s2;
	s4 =	sand.u32 $0x1, s4  }
0x5: {  	s5 =	sadd.s32 $0xE00, s3;
	s6 =	sadd.s32 $0x4A00, s3;
	s16 =	sadd.s32 $0x4C00, s3  }
0x6: {  	s17 =	sadd.s32 $0x40C00, s3;
	s19 =	smul.u32 $0x77000, s15;
	s7 =	sshll.u32 s15, $0x7  }
0x7: {  	s9 =	sshll.u32 s15, $0xC;
	_ =	strace $0x80000047;
	[dreg:$0x4] =	wrdreg s5  }
0x8: {  	s14 =	ssub.s32 $0x2, s4;
	[dreg:$0x5] =	wrdreg s6;
	s6 =	sshll.u32 s15, $0xE  }
0x9: {  	s8 =	sshll.u32 s4, $0x10;
	p0 =	seq.s32 s4, $0x1;
	[dreg:$0x6] =	wrdreg s16  }
0xa: {  	[dreg:$0x7] =	wrdreg s17;
	s18 =	sshrl.u32 s14, $0x1;
	s10 =	sor.u32 s7, s6  }
0xb: {  	s5 =	sshrl.u32 s19, $0x2;
	s8 =	sor.u32 s9, s8;
	s22 =	sor.u32 $0x40000, s6  }
0xc: {  	s24 =	sor.u32 $0x80000, s6;
	s12 =	sor.u32 $0xC0000, s6;
	s3 =	ssub.s32 s14, s18  }
0xd: {  	s20 =	sand.u32 $0x20380, s10;
	s8 =	sadd.s32 s0, s8;
	s18 =	sadd.s32 s6, s1  }
0xe: {  	s23 =	sor.u32 s7, s22;
	s11 =	sor.u32 s7, s24;
	s13 =	sor.u32 s7, s12  }
0xf: {  	s4 =	sadd.s32 s22, s1;
	s10 =	sadd.s32 s24, s1;
	s12 =	sadd.s32 s12, s1  }
0x10: {  	s0 =	sshrl.u32 s20, $0x3;
	s11 =	sand.u32 $0xA0380, s11;
	[dreg:$0xa] =	wrdreg s4  }
0x11: {  	s26 =	sand.u32 $0xE0380, s13;
	[dreg:$0xb] =	wrdreg s10;
	s13 =	sor.u32 $0x100000, s6  }
0x12: {  	[dreg:$0xc] =	wrdreg s12;
	s20 =	sor.u32 $0x140000, s6;
	s6 =	sor.u32 $0x180000, s6  }
0x13: {  	s31 =	smax.u32 s3, $0x1;
	[dreg:$0x9] =	wrdreg s18;
	s3 =	sadd.s32 $0x480, s8  }
0x14: {  	s21 =	sadd.s32 s16, s0;
	s25 =	sshrl.u32 s11, $0x3;
	[smem:$0x7E7] =	sst s3  }
0x15: {  	s19 =	sor.u32 s7, s13;
	s11 =	sadd.s32 s13, s1;
	[dreg:$0x8] =	wrdreg s21  }
0x16: {  	s14 =	sor.u32 s7, s20;
	s13 =	sadd.s32 s20, s1;
	[dreg:$0xd] =	wrdreg s11  }
0x17: {  	s7 =	sor.u32 s7, s6;
	s6 =	sadd.s32 s6, s1;
	[dreg:$0xe] =	wrdreg s13  }
0x18: {  	s9 =	sand.u32 $0x60380, s23;
	s0 =	sadd.s32 s17, s0;
	[dreg:$0xf] =	wrdreg s6  }
0x19: {  	s9 =	sshrl.u32 s9, $0x3;
	s20 =	sadd.s32 $0x100, s8;
	[dreg:$0x10] =	wrdreg s0  }
0x1a: {  	s22 =	sadd.s32 s16, s9;
	[smem:$0x7E0] =	sst s20  }
0x1b: {  	s23 =	sadd.s32 s17, s9;
	[dreg:$0x11] =	wrdreg s22  }
0x1c: {  	s24 =	sadd.s32 s16, s25;
	[dreg:$0x12] =	wrdreg s23  }
0x1d: {  	s10 =	sshrl.u32 s26, $0x3;
	s25 =	sadd.s32 s17, s25;
	[dreg:$0x13] =	wrdreg s24  }
0x1e: {  	s26 =	sadd.s32 s16, s10;
	[dreg:$0x14] =	wrdreg s25  }
0x1f: {  	s4 =	sadd.s32 s17, s10;
	[dreg:$0x15] =	wrdreg s26  }
0x20: {  	s12 =	sand.u32 $0x120380, s19;
	s19 =	sadd.s32 $0x80, s8;
	[dreg:$0x16] =	wrdreg s4  }
0x21: {  	s20 =	sadd.s32 $0xC80, s8;
	[smem:$0x7DF] =	sst s19  }
0x22: {  	s22 =	sadd.s32 $0x200, s8;
	[smem:$0x7F7] =	sst s20  }
0x23: {  	s23 =	sadd.s32 $0x280, s8;
	[smem:$0x7E2] =	sst s22  }
0x24: {  	s24 =	sadd.s32 $0x300, s8;
	[smem:$0x7E3] =	sst s23  }
0x25: {  	s25 =	sadd.s32 $0x380, s8;
	[smem:$0x7E4] =	sst s24  }
0x26: {  	s26 =	sadd.s32 $0x400, s8;
	[smem:$0x7E5] =	sst s25  }
0x27: {  	s4 =	sadd.s32 $0x500, s8;
	[smem:$0x7E6] =	sst s26  }
0x28: {  	s12 =	sshrl.u32 s12, $0x3;
	s19 =	sadd.s32 $0xC00, s8;
	[smem:$0x7E8] =	sst s4  }
0x29: {  	s14 =	sand.u32 $0x160380, s14;
	s6 =	sadd.s32 s16, s12;
	[smem:$0x7F6] =	sst s19  }
0x2a: {  	s21 =	sshrl.u32 s14, $0x3;
	s9 =	sadd.s32 s17, s12;
	[dreg:$0x17] =	wrdreg s6  }
0x2b: {  	s7 =	sand.u32 $0x1A0380, s7;
	s10 =	sadd.s32 s16, s21;
	[dreg:$0x18] =	wrdreg s9  }
0x2c: {  	s7 =	sshrl.u32 s7, $0x3;
	s11 =	sadd.s32 s17, s21;
	[dreg:$0x19] =	wrdreg s10  }
0x2d: {  	s12 =	sadd.s32 s16, s7;
	[dreg:$0x1a] =	wrdreg s11  }
0x2e: {  	s14 =	sshll.u32 s15, $0x4;
	s13 =	sadd.s32 s17, s7;
	[dreg:$0x1b] =	wrdreg s12  }
0x2f: {  	s5 =	sadd.s32 s5, s1;
	s0 =	sor.u32 $0x38000, s14;
	[dreg:$0x1c] =	wrdreg s13  }
0x30: {  	s16 =	sshrl.u32 s5, $0x3;
	[dreg:$0x1d] =	wrdreg s0  }
0x31: {  	s17 =	sadd.s32 $0x1C0000, s18;
	s18 =	sshll.u32 s15, $0x6;
	[dreg:$0x1e] =	wrdreg s16  }
0x32: {  	s21 =	sadd.s32 $0x180, s8;
	[smem:$0x7DD] =	sst s18  }
0x33: {  	s5 =	sadd.s32 $0x580, s8;
	[smem:$0x7E1] =	sst s21  }
0x34: {  	s7 =	sadd.s32 $0x680, s8;
	[smem:$0x7E9] =	sst s5  }
0x35: {  	p1 =	sgt.u32 s15, $0x6;
	s14 =	sadd.s32 $0x980, s8;
	[smem:$0x7EB] =	sst s7  }
0x36: {  	p2 =	slt.u32 s15, $0x7;
	s15 =	sadd.s32 $0xA00, s8;
	[smem:$0x7F1] =	sst s14  }
0x37: {  	s28 =	simm.s32 $0x800;
	s22 =	sadd.s32 $0xD80, s8;
	[smem:$0x7F2] =	sst s15  }
0x38: {  	s29 =	simm.s32 $0xC00;
	s23 =	sadd.s32 $0xE00, s8;
	[smem:$0x7F9] =	sst s22  }
0x39: {  	s30 =	simm.s32 $0x1000;
	s24 =	sadd.s32 $0xE80, s8;
	[smem:$0x7FA] =	sst s23  }
0x3a: {  	s3 =	simm.s32 $0x3;
	s25 =	sadd.s32 $0xF00, s8;
	[smem:$0x7FB] =	sst s24  }
0x3b: {  	s20 =	simm.s32 $0xF;
	s26 =	sadd.s32 $0xF80, s8;
	[smem:$0x7FC] =	sst s25  }
0x3c: {  	s4 =	simm.s32 $0xD;
	s0 =	sshrl.u32 s17, $0x3;
	[smem:$0x7FD] =	sst s26  }
0x3d: {  	s19 =	simm.s32 $0xE;
	s6 =	sadd.s32 $0x600, s8;
	[dreg:$0x1f] =	wrdreg s0  }
0x3e: {  	s9 =	sadd.s32 $0x700, s8;
	s10 =	sadd.s32 $0x780, s8;
	[smem:$0x7EA] =	sst s6  }
0x3f: {  	s11 =	sadd.s32 $0x800, s8;
	s12 =	sadd.s32 $0x880, s8;
	[smem:$0x7EC] =	sst s9  }
0x40: {  	s13 =	sadd.s32 $0x900, s8;
	s16 =	sadd.s32 $0xA80, s8;
	[smem:$0x7ED] =	sst s10  }
0x41: {  	s17 =	sadd.s32 $0xB00, s8;
	s21 =	sadd.s32 $0xD00, s8;
	[smem:$0x7EE] =	sst s11  }
0x42: {  	s24 =	simm.s32 $0x1C00;
	s25 =	simm.s32 $0x10;
	[smem:$0x7EF] =	sst s12  }
0x43: {  	s26 =	simm.s32 $0x400;
	s7 =	simm.s32 $0x1800;
	[smem:$0x7F0] =	sst s13  }
0x44: {  	s5 =	simm.s32 $0x9;
	s14 =	simm.s32 $0x6;
	[smem:$0x7F3] =	sst s16  }
0x45: {  	s15 =	simm.s32 $0xC;
	s0 =	sor.u32 $0x1C01, s18;
	[smem:$0x7F4] =	sst s17  }
.Ltmp0:
0x46: {  	s18 =	sadd.s32 $0xB80, s8;
	[smem:$0x7F8] =	sst s21;
	(pc) =	sbr.rel .LBB2_1-.Ltmp0, $4  }
0x47: {  	s9 =	simm.s32 $0x1;
	s6 =	simm.s32 $0x2;
	s11 =	simm.s32 $0x4  }
0x48: {  	s12 =	simm.s32 $0xA;
	s10 =	simm.s32 $0x5;
	s13 =	simm.s32 $0xB  }
0x49: {  	s16 =	simm.s32 $0x7;
	s21 =	simm.s32 $0x80;
	[smem:$0x7DE] =	sst s0  }
0x4a: {  	[smem:$0x7F5] =	sst s18;
	s0 =	simm.s32 $0x1400;
	s18 =	simm.s32 $0x8  }
.LBB2_4:
0x4b: {  	s17 =	rddreg [dreg:$0x1d]  }
0x4c: {  	s23 =	sadd.s32 s17, s23;
	s17 =	rddreg [dreg:$0x1f]  }
0x4d: {  	[hbm:s23@s21], [sflag:s22] =	dma.strided [spmem:s17@s25], $0x800, s9, $0x10   }
0x4e: {  	_ =	swait.ge [sflag:s25], $0x800  }
0x4f: {  	[sflag:s25] =	ssyncset.done $0x0  }
0x50: {  	[sflag:s25] =	ssyncadd.s32 $0xFFFFF800  }
.LBB2_5:
0x51: {  	s31 =	sadd.s32 $0xFFFFFFFF, s31  }
0x52: {  	p3 =	sne.s32 s31, $0x0  }
.Ltmp1:
0x53: {  	_ = 	snop;
	(pc) =	sbr.rel @!p3 .LBB2_6-.Ltmp1, $1  }
0x54: {  	_ =	sdelay $0x3  }
.LBB2_1:
0x55: {  	s23 =	sld [smem:$0x7DE]  }
0x56: {  	s22 =	rddreg [dreg:$0x4]  }
0x57: {  	s17 =	rddreg [dreg:$0x1e]  }
0x58: {  	[spmem:s17], [sflag:s23] =	dma.local [hbm:s22], $0x3B80  }
0x59: {  	s22 =	rddreg [dreg:$0x5]  }
0x5a: {  	[tilespmem:s24], [sflag:$0x10] =	stream.linear.gather [hbm4b:s22+s2], $0x400, $0x38;
	[tilespmem:$0x1FC00] =	vst v63  }
0x5b: {  	_ =	swait.ge [sflag:s25], $0x400  }
0x5c: {  	[sflag:s25] =	ssyncset.done $0x0  }
0x5d: {  	s22 =	sld [smem:$0x7DF];
	[sflag:s25] =	ssyncadd.s32 $0xFFFFFC00  }
0x5e: {  	[tilespmem:s2], [sflag:$0x2] =	stream.linear.gather [hbm4b:s8+s2], $0x400, $0x38;
	[tilespmem:$0x1FC00] =	vst v63  }
0x5f: {  	s23 =	sld [smem:$0x7E0]  }
0x60: {  	[tilespmem:s26], [sflag:$0x3] =	stream.linear.gather [hbm4b:s22+s2], $0x400, $0x38;
	[tilespmem:$0x1FC00] =	vst v63  }
0x61: {  	s22 =	sld [smem:$0x7E1]  }
0x62: {  	[tilespmem:s28], [sflag:$0x4] =	stream.linear.gather [hbm4b:s23+s2], $0x400, $0x38;
	[tilespmem:$0x1FC00] =	vst v63  }
0x63: {  	s23 =	sld [smem:$0x7E2]  }
0x64: {  	[tilespmem:s29], [sflag:$0x5] =	stream.linear.gather [hbm4b:s22+s2], $0x400, $0x38;
	[tilespmem:$0x1FC00] =	vst v63  }
0x65: {  	s22 =	sld [smem:$0x7E3]  }
0x66: {  	[tilespmem:s30], [sflag:$0x6] =	stream.linear.gather [hbm4b:s23+s2], $0x400, $0x38;
	[tilespmem:$0x1FC00] =	vst v63  }
0x67: {  	_ = 	snop  }
0x68: {  	[tilespmem:s0], [sflag:$0x7] =	stream.linear.gather [hbm4b:s22+s2], $0x400, $0x38;
	[tilespmem:$0x1FC00] =	vst v63  }
0x69: {  	_ =	swait.ge [sflag:s9], $0x3B80  }
0x6a: {  	[sflag:s9] =	ssyncset.done $0x0  }
0x6b: {  	[sflag:s9] =	ssyncadd.s32 $0xFFFFC480  }
0x6c: {  	[bflag:$0x0] =	sbarrier.arrive $0xFFFF  }
0x6d: {  	_ =	swait.ge [sflag:s6], $0x400  }
0x6e: {  	[sflag:s6] =	ssyncset.done $0x0  }
0x6f: {  	s23 =	sld [smem:$0x7E4];
	[sflag:s6] =	ssyncadd.s32 $0xFFFFFC00  }
0x70: {  	[spmem:s1] =	stream.indirect.scatter.add.f32 [tilespmem:s24], [sflag:$0x9], $0x1, s2, s26, $0xb8;
	[tilespmem:$0x1FC00] =	vst v63  }
0x71: {  	_ = 	snop  }
0x72: {  	[tilespmem:s7], [sflag:$0x8] =	stream.linear.gather [hbm4b:s23+s2], $0x400, $0x38;
	[tilespmem:$0x1FC00] =	vst v63  }
0x73: {  	_ =	swait.ge [sflag:s3], $0x400  }
0x74: {  	[sflag:s3] =	ssyncset.done $0x0  }
0x75: {  	[sflag:s3] =	ssyncadd.s32 $0xFFFFFC00  }
0x76: {  	[spmem:s1] =	stream.indirect.scatter.add.f32 [tilespmem:s24], [sflag:$0xA], $0x1, s26, s26, $0xb8;
	[tilespmem:$0x1FC00] =	vst v63  }
0x77: {  	_ =	swait.ge [sflag:s5], $0x400  }
0x78: {  	s22 =	sld [smem:$0x7E5]  }
0x79: {  	[sflag:s5] =	ssyncset.done $0x0  }
0x7a: {  	[sflag:s5] =	ssyncadd.s32 $0xFFFFFC00  }
0x7b: {  	[tilespmem:s2], [sflag:$0x2] =	stream.linear.gather [hbm4b:s22+s2], $0x400, $0x38;
	[tilespmem:$0x1FC00] =	vst v63  }
0x7c: {  	_ =	swait.ge [sflag:s11], $0x400  }
0x7d: {  	[sflag:s11] =	ssyncset.done $0x0  }
0x7e: {  	[sflag:s11] =	ssyncadd.s32 $0xFFFFFC00  }
0x7f: {  	[spmem:s1] =	stream.indirect.scatter.add.f32 [tilespmem:s24], [sflag:$0xB], $0x1, s28, s26, $0xb8;
	[tilespmem:$0x1FC00] =	vst v63  }
0x80: {  	_ =	swait.ge [sflag:s12], $0x400  }
0x81: {  	s23 =	sld [smem:$0x7E6]  }
0x82: {  	[sflag:s12] =	ssyncset.done $0x0  }
0x83: {  	[sflag:s12] =	ssyncadd.s32 $0xFFFFFC00  }
0x84: {  	[tilespmem:s26], [sflag:$0x3] =	stream.linear.gather [hbm4b:s23+s2], $0x400, $0x38;
	[tilespmem:$0x1FC00] =	vst v63  }
0x85: {  	_ =	swait.ge [sflag:s10], $0x400  }
0x86: {  	[sflag:s10] =	ssyncset.done $0x0  }
0x87: {  	[sflag:s10] =	ssyncadd.s32 $0xFFFFFC00  }
0x88: {  	[spmem:s1] =	stream.indirect.scatter.add.f32 [tilespmem:s24], [sflag:$0xC], $0x1, s29, s26, $0xb8;
	[tilespmem:$0x1FC00] =	vst v63  }
0x89: {  	_ =	swait.ge [sflag:s13], $0x400  }
0x8a: {  	s22 =	sld [smem:$0x7E7]  }
0x8b: {  	[sflag:s13] =	ssyncset.done $0x0  }
0x8c: {  	[sflag:s13] =	ssyncadd.s32 $0xFFFFFC00  }
0x8d: {  	[tilespmem:s28], [sflag:$0x4] =	stream.linear.gather [hbm4b:s22+s2], $0x400, $0x38;
	[tilespmem:$0x1FC00] =	vst v63  }
0x8e: {  	_ =	swait.ge [sflag:s14], $0x400  }
0x8f: {  	[sflag:s14] =	ssyncset.done $0x0  }
0x90: {  	[sflag:s14] =	ssyncadd.s32 $0xFFFFFC00  }
0x91: {  	[spmem:s1] =	stream.indirect.scatter.add.f32 [tilespmem:s24], [sflag:$0xD], $0x1, s30, s26, $0xb8;
	[tilespmem:$0x1FC00] =	vst v63  }
0x92: {  	_ =	swait.ge [sflag:s15], $0x400  }
0x93: {  	s23 =	sld [smem:$0x7E8]  }
0x94: {  	[sflag:s15] =	ssyncset.done $0x0  }
0x95: {  	[sflag:s15] =	ssyncadd.s32 $0xFFFFFC00  }
0x96: {  	[tilespmem:s29], [sflag:$0x5] =	stream.linear.gather [hbm4b:s23+s2], $0x400, $0x38;
	[tilespmem:$0x1FC00] =	vst v63  }
0x97: {  	_ =	swait.ge [sflag:s16], $0x400  }
0x98: {  	[sflag:s16] =	ssyncset.done $0x0  }
0x99: {  	[sflag:s16] =	ssyncadd.s32 $0xFFFFFC00  }
0x9a: {  	[spmem:s1] =	stream.indirect.scatter.add.f32 [tilespmem:s24], [sflag:$0xE], $0x1, s0, s26, $0xb8;
	[tilespmem:$0x1FC00] =	vst v63  }
0x9b: {  	_ =	swait.ge [sflag:s4], $0x400  }
0x9c: {  	s22 =	sld [smem:$0x7E9]  }
0x9d: {  	[sflag:s4] =	ssyncset.done $0x0  }
0x9e: {  	[sflag:s4] =	ssyncadd.s32 $0xFFFFFC00  }
0x9f: {  	[tilespmem:s30], [sflag:$0x6] =	stream.linear.gather [hbm4b:s22+s2], $0x400, $0x38;
	[tilespmem:$0x1FC00] =	vst v63  }
0xa0: {  	_ =	swait.ge [sflag:s18], $0x400  }
0xa1: {  	[sflag:s18] =	ssyncset.done $0x0  }
0xa2: {  	[sflag:s18] =	ssyncadd.s32 $0xFFFFFC00  }
0xa3: {  	[spmem:s1] =	stream.indirect.scatter.add.f32 [tilespmem:s24], [sflag:$0xF], $0x1, s7, s26, $0xb8;
	[tilespmem:$0x1FC00] =	vst v63  }
0xa4: {  	_ =	swait.ge [sflag:s19], $0x400  }
0xa5: {  	s23 =	sld [smem:$0x7EA]  }
0xa6: {  	[sflag:s19] =	ssyncset.done $0x0  }
0xa7: {  	[sflag:s19] =	ssyncadd.s32 $0xFFFFFC00  }
0xa8: {  	[tilespmem:s0], [sflag:$0x7] =	stream.linear.gather [hbm4b:s23+s2], $0x400, $0x38;
	[tilespmem:$0x1FC00] =	vst v63  }
0xa9: {  	_ =	swait.ge [sflag:s6], $0x400  }
0xaa: {  	[sflag:s6] =	ssyncset.done $0x0  }
0xab: {  	[sflag:s6] =	ssyncadd.s32 $0xFFFFFC00  }
0xac: {  	[spmem:s1] =	stream.indirect.scatter.add.f32 [tilespmem:s24], [sflag:$0x9], $0x1, s2, s26, $0xb8;
	[tilespmem:$0x1FC00] =	vst v63  }
0xad: {  	_ =	swait.ge [sflag:s20], $0x400  }
0xae: {  	s22 =	sld [smem:$0x7EB]  }
0xaf: {  	[sflag:s20] =	ssyncset.done $0x0  }
0xb0: {  	[sflag:s20] =	ssyncadd.s32 $0xFFFFFC00  }
0xb1: {  	[tilespmem:s7], [sflag:$0x8] =	stream.linear.gather [hbm4b:s22+s2], $0x400, $0x38;
	[tilespmem:$0x1FC00] =	vst v63  }
0xb2: {  	_ =	swait.ge [sflag:s3], $0x400  }
0xb3: {  	[sflag:s3] =	ssyncset.done $0x0  }
0xb4: {  	[sflag:s3] =	ssyncadd.s32 $0xFFFFFC00  }
0xb5: {  	[spmem:s1] =	stream.indirect.scatter.add.f32 [tilespmem:s24], [sflag:$0xA], $0x1, s26, s26, $0xb8;
	[tilespmem:$0x1FC00] =	vst v63  }
0xb6: {  	_ =	swait.ge [sflag:s5], $0x400  }
0xb7: {  	s23 =	sld [smem:$0x7EC]  }
0xb8: {  	[sflag:s5] =	ssyncset.done $0x0  }
0xb9: {  	[sflag:s5] =	ssyncadd.s32 $0xFFFFFC00  }
0xba: {  	[tilespmem:s2], [sflag:$0x2] =	stream.linear.gather [hbm4b:s23+s2], $0x400, $0x38;
	[tilespmem:$0x1FC00] =	vst v63  }
0xbb: {  	_ =	swait.ge [sflag:s11], $0x400  }
0xbc: {  	[sflag:s11] =	ssyncset.done $0x0  }
0xbd: {  	[sflag:s11] =	ssyncadd.s32 $0xFFFFFC00  }
0xbe: {  	[spmem:s1] =	stream.indirect.scatter.add.f32 [tilespmem:s24], [sflag:$0xB], $0x1, s28, s26, $0xb8;
	[tilespmem:$0x1FC00] =	vst v63  }
0xbf: {  	_ =	swait.ge [sflag:s12], $0x400  }
0xc0: {  	s22 =	sld [smem:$0x7ED]  }
0xc1: {  	[sflag:s12] =	ssyncset.done $0x0  }
0xc2: {  	[sflag:s12] =	ssyncadd.s32 $0xFFFFFC00  }
0xc3: {  	[tilespmem:s26], [sflag:$0x3] =	stream.linear.gather [hbm4b:s22+s2], $0x400, $0x38;
	[tilespmem:$0x1FC00] =	vst v63  }
0xc4: {  	_ =	swait.ge [sflag:s10], $0x400  }
0xc5: {  	[sflag:s10] =	ssyncset.done $0x0  }
0xc6: {  	[sflag:s10] =	ssyncadd.s32 $0xFFFFFC00  }
0xc7: {  	[spmem:s1] =	stream.indirect.scatter.add.f32 [tilespmem:s24], [sflag:$0xC], $0x1, s29, s26, $0xb8;
	[tilespmem:$0x1FC00] =	vst v63  }
0xc8: {  	_ =	swait.ge [sflag:s13], $0x400  }
0xc9: {  	s23 =	sld [smem:$0x7EE]  }
0xca: {  	[sflag:s13] =	ssyncset.done $0x0  }
0xcb: {  	[sflag:s13] =	ssyncadd.s32 $0xFFFFFC00  }
0xcc: {  	[tilespmem:s28], [sflag:$0x4] =	stream.linear.gather [hbm4b:s23+s2], $0x400, $0x38;
	[tilespmem:$0x1FC00] =	vst v63  }
0xcd: {  	_ =	swait.ge [sflag:s14], $0x400  }
0xce: {  	[sflag:s14] =	ssyncset.done $0x0  }
0xcf: {  	[sflag:s14] =	ssyncadd.s32 $0xFFFFFC00  }
0xd0: {  	[spmem:s1] =	stream.indirect.scatter.add.f32 [tilespmem:s24], [sflag:$0xD], $0x1, s30, s26, $0xb8;
	[tilespmem:$0x1FC00] =	vst v63  }
0xd1: {  	_ =	swait.ge [sflag:s15], $0x400  }
0xd2: {  	s22 =	sld [smem:$0x7EF]  }
0xd3: {  	[sflag:s15] =	ssyncset.done $0x0  }
0xd4: {  	[sflag:s15] =	ssyncadd.s32 $0xFFFFFC00  }
0xd5: {  	[tilespmem:s29], [sflag:$0x5] =	stream.linear.gather [hbm4b:s22+s2], $0x400, $0x38;
	[tilespmem:$0x1FC00] =	vst v63  }
0xd6: {  	_ =	swait.ge [sflag:s16], $0x400  }
0xd7: {  	[sflag:s16] =	ssyncset.done $0x0  }
0xd8: {  	[sflag:s16] =	ssyncadd.s32 $0xFFFFFC00  }
0xd9: {  	[spmem:s1] =	stream.indirect.scatter.add.f32 [tilespmem:s24], [sflag:$0xE], $0x1, s0, s26, $0xb8;
	[tilespmem:$0x1FC00] =	vst v63  }
0xda: {  	_ =	swait.ge [sflag:s4], $0x400  }
0xdb: {  	s23 =	sld [smem:$0x7F0]  }
0xdc: {  	[sflag:s4] =	ssyncset.done $0x0  }
0xdd: {  	[sflag:s4] =	ssyncadd.s32 $0xFFFFFC00  }
0xde: {  	[tilespmem:s30], [sflag:$0x6] =	stream.linear.gather [hbm4b:s23+s2], $0x400, $0x38;
	[tilespmem:$0x1FC00] =	vst v63  }
0xdf: {  	_ =	swait.ge [sflag:s18], $0x400  }
0xe0: {  	[sflag:s18] =	ssyncset.done $0x0  }
0xe1: {  	[sflag:s18] =	ssyncadd.s32 $0xFFFFFC00  }
0xe2: {  	[spmem:s1] =	stream.indirect.scatter.add.f32 [tilespmem:s24], [sflag:$0xF], $0x1, s7, s26, $0xb8;
	[tilespmem:$0x1FC00] =	vst v63  }
0xe3: {  	_ =	swait.ge [sflag:s19], $0x400  }
0xe4: {  	s22 =	sld [smem:$0x7F1]  }
0xe5: {  	[sflag:s19] =	ssyncset.done $0x0  }
0xe6: {  	[sflag:s19] =	ssyncadd.s32 $0xFFFFFC00  }
0xe7: {  	[tilespmem:s0], [sflag:$0x7] =	stream.linear.gather [hbm4b:s22+s2], $0x400, $0x38;
	[tilespmem:$0x1FC00] =	vst v63  }
0xe8: {  	_ =	swait.ge [sflag:s6], $0x400  }
0xe9: {  	[sflag:s6] =	ssyncset.done $0x0  }
0xea: {  	[sflag:s6] =	ssyncadd.s32 $0xFFFFFC00  }
0xeb: {  	[spmem:s1] =	stream.indirect.scatter.add.f32 [tilespmem:s24], [sflag:$0x9], $0x1, s2, s26, $0xb8;
	[tilespmem:$0x1FC00] =	vst v63  }
0xec: {  	_ =	swait.ge [sflag:s20], $0x400  }
0xed: {  	s23 =	sld [smem:$0x7F2]  }
0xee: {  	[sflag:s20] =	ssyncset.done $0x0  }
0xef: {  	[sflag:s20] =	ssyncadd.s32 $0xFFFFFC00  }
0xf0: {  	[tilespmem:s7], [sflag:$0x8] =	stream.linear.gather [hbm4b:s23+s2], $0x400, $0x38;
	[tilespmem:$0x1FC00] =	vst v63  }
0xf1: {  	_ =	swait.ge [sflag:s3], $0x400  }
0xf2: {  	[sflag:s3] =	ssyncset.done $0x0  }
0xf3: {  	[sflag:s3] =	ssyncadd.s32 $0xFFFFFC00  }
0xf4: {  	[spmem:s1] =	stream.indirect.scatter.add.f32 [tilespmem:s24], [sflag:$0xA], $0x1, s26, s26, $0xb8;
	[tilespmem:$0x1FC00] =	vst v63  }
0xf5: {  	_ =	swait.ge [sflag:s5], $0x400  }
0xf6: {  	s22 =	sld [smem:$0x7F3]  }
0xf7: {  	[sflag:s5] =	ssyncset.done $0x0  }
0xf8: {  	[sflag:s5] =	ssyncadd.s32 $0xFFFFFC00  }
0xf9: {  	[tilespmem:s2], [sflag:$0x2] =	stream.linear.gather [hbm4b:s22+s2], $0x400, $0x38;
	[tilespmem:$0x1FC00] =	vst v63  }
0xfa: {  	_ =	swait.ge [sflag:s11], $0x400  }
0xfb: {  	[sflag:s11] =	ssyncset.done $0x0  }
0xfc: {  	[sflag:s11] =	ssyncadd.s32 $0xFFFFFC00  }
0xfd: {  	[spmem:s1] =	stream.indirect.scatter.add.f32 [tilespmem:s24], [sflag:$0xB], $0x1, s28, s26, $0xb8;
	[tilespmem:$0x1FC00] =	vst v63  }
0xfe: {  	_ =	swait.ge [sflag:s12], $0x400  }
0xff: {  	s23 =	sld [smem:$0x7F4]  }
0x100: {  	[sflag:s12] =	ssyncset.done $0x0  }
0x101: {  	[sflag:s12] =	ssyncadd.s32 $0xFFFFFC00  }
0x102: {  	[tilespmem:s26], [sflag:$0x3] =	stream.linear.gather [hbm4b:s23+s2], $0x400, $0x38;
	[tilespmem:$0x1FC00] =	vst v63  }
0x103: {  	_ =	swait.ge [sflag:s10], $0x400  }
0x104: {  	[sflag:s10] =	ssyncset.done $0x0  }
0x105: {  	[sflag:s10] =	ssyncadd.s32 $0xFFFFFC00  }
0x106: {  	[spmem:s1] =	stream.indirect.scatter.add.f32 [tilespmem:s24], [sflag:$0xC], $0x1, s29, s26, $0xb8;
	[tilespmem:$0x1FC00] =	vst v63  }
0x107: {  	_ =	swait.ge [sflag:s13], $0x400  }
0x108: {  	s22 =	sld [smem:$0x7F5]  }
0x109: {  	[sflag:s13] =	ssyncset.done $0x0  }
0x10a: {  	[sflag:s13] =	ssyncadd.s32 $0xFFFFFC00  }
0x10b: {  	[tilespmem:s28], [sflag:$0x4] =	stream.linear.gather [hbm4b:s22+s2], $0x400, $0x38;
	[tilespmem:$0x1FC00] =	vst v63  }
0x10c: {  	_ =	swait.ge [sflag:s14], $0x400  }
0x10d: {  	[sflag:s14] =	ssyncset.done $0x0  }
0x10e: {  	[sflag:s14] =	ssyncadd.s32 $0xFFFFFC00  }
0x10f: {  	[spmem:s1] =	stream.indirect.scatter.add.f32 [tilespmem:s24], [sflag:$0xD], $0x1, s30, s26, $0xb8;
	[tilespmem:$0x1FC00] =	vst v63  }
0x110: {  	_ =	swait.ge [sflag:s15], $0x400  }
0x111: {  	s23 =	sld [smem:$0x7F6]  }
0x112: {  	[sflag:s15] =	ssyncset.done $0x0  }
0x113: {  	[sflag:s15] =	ssyncadd.s32 $0xFFFFFC00  }
0x114: {  	[tilespmem:s29], [sflag:$0x5] =	stream.linear.gather [hbm4b:s23+s2], $0x400, $0x38;
	[tilespmem:$0x1FC00] =	vst v63  }
0x115: {  	_ =	swait.ge [sflag:s16], $0x400  }
0x116: {  	[sflag:s16] =	ssyncset.done $0x0  }
0x117: {  	[sflag:s16] =	ssyncadd.s32 $0xFFFFFC00  }
0x118: {  	[spmem:s1] =	stream.indirect.scatter.add.f32 [tilespmem:s24], [sflag:$0xE], $0x1, s0, s26, $0xb8;
	[tilespmem:$0x1FC00] =	vst v63  }
0x119: {  	_ =	swait.ge [sflag:s4], $0x400  }
0x11a: {  	s22 =	sld [smem:$0x7F7]  }
0x11b: {  	[sflag:s4] =	ssyncset.done $0x0  }
0x11c: {  	[sflag:s4] =	ssyncadd.s32 $0xFFFFFC00  }
0x11d: {  	[tilespmem:s30], [sflag:$0x6] =	stream.linear.gather [hbm4b:s22+s2], $0x400, $0x38;
	[tilespmem:$0x1FC00] =	vst v63  }
0x11e: {  	_ =	swait.ge [sflag:s18], $0x400  }
0x11f: {  	[sflag:s18] =	ssyncset.done $0x0  }
0x120: {  	[sflag:s18] =	ssyncadd.s32 $0xFFFFFC00  }
0x121: {  	[spmem:s1] =	stream.indirect.scatter.add.f32 [tilespmem:s24], [sflag:$0xF], $0x1, s7, s26, $0xb8;
	[tilespmem:$0x1FC00] =	vst v63  }
0x122: {  	_ =	swait.ge [sflag:s19], $0x400  }
0x123: {  	s23 =	sld [smem:$0x7F8]  }
0x124: {  	[sflag:s19] =	ssyncset.done $0x0  }
0x125: {  	[sflag:s19] =	ssyncadd.s32 $0xFFFFFC00  }
0x126: {  	[tilespmem:s0], [sflag:$0x7] =	stream.linear.gather [hbm4b:s23+s2], $0x400, $0x38;
	[tilespmem:$0x1FC00] =	vst v63  }
0x127: {  	_ =	swait.ge [sflag:s6], $0x400  }
0x128: {  	[sflag:s6] =	ssyncset.done $0x0  }
0x129: {  	[sflag:s6] =	ssyncadd.s32 $0xFFFFFC00  }
0x12a: {  	[spmem:s1] =	stream.indirect.scatter.add.f32 [tilespmem:s24], [sflag:$0x9], $0x1, s2, s26, $0xb8;
	[tilespmem:$0x1FC00] =	vst v63  }
0x12b: {  	_ =	swait.ge [sflag:s20], $0x400  }
0x12c: {  	s22 =	sld [smem:$0x7F9]  }
0x12d: {  	[sflag:s20] =	ssyncset.done $0x0  }
0x12e: {  	[sflag:s20] =	ssyncadd.s32 $0xFFFFFC00  }
0x12f: {  	[tilespmem:s7], [sflag:$0x8] =	stream.linear.gather [hbm4b:s22+s2], $0x400, $0x38;
	[tilespmem:$0x1FC00] =	vst v63  }
0x130: {  	_ =	swait.ge [sflag:s3], $0x400  }
0x131: {  	[sflag:s3] =	ssyncset.done $0x0  }
0x132: {  	[sflag:s3] =	ssyncadd.s32 $0xFFFFFC00  }
0x133: {  	[spmem:s1] =	stream.indirect.scatter.add.f32 [tilespmem:s24], [sflag:$0xA], $0x1, s26, s26, $0xb8;
	[tilespmem:$0x1FC00] =	vst v63  }
0x134: {  	_ =	swait.ge [sflag:s5], $0x400  }
0x135: {  	s23 =	sld [smem:$0x7FA]  }
0x136: {  	[sflag:s5] =	ssyncset.done $0x0  }
0x137: {  	[sflag:s5] =	ssyncadd.s32 $0xFFFFFC00  }
0x138: {  	[tilespmem:s2], [sflag:$0x2] =	stream.linear.gather [hbm4b:s23+s2], $0x400, $0x38;
	[tilespmem:$0x1FC00] =	vst v63  }
0x139: {  	_ =	swait.ge [sflag:s11], $0x400  }
0x13a: {  	[sflag:s11] =	ssyncset.done $0x0  }
0x13b: {  	[sflag:s11] =	ssyncadd.s32 $0xFFFFFC00  }
0x13c: {  	[spmem:s1] =	stream.indirect.scatter.add.f32 [tilespmem:s24], [sflag:$0xB], $0x1, s28, s26, $0xb8;
	[tilespmem:$0x1FC00] =	vst v63  }
0x13d: {  	_ =	swait.ge [sflag:s12], $0x400  }
0x13e: {  	s22 =	sld [smem:$0x7FB]  }
0x13f: {  	[sflag:s12] =	ssyncset.done $0x0  }
0x140: {  	[sflag:s12] =	ssyncadd.s32 $0xFFFFFC00  }
0x141: {  	[tilespmem:s26], [sflag:$0x3] =	stream.linear.gather [hbm4b:s22+s2], $0x400, $0x38;
	[tilespmem:$0x1FC00] =	vst v63  }
0x142: {  	_ =	swait.ge [sflag:s10], $0x400  }
0x143: {  	[sflag:s10] =	ssyncset.done $0x0  }
0x144: {  	[sflag:s10] =	ssyncadd.s32 $0xFFFFFC00  }
0x145: {  	[spmem:s1] =	stream.indirect.scatter.add.f32 [tilespmem:s24], [sflag:$0xC], $0x1, s29, s26, $0xb8;
	[tilespmem:$0x1FC00] =	vst v63  }
0x146: {  	_ =	swait.ge [sflag:s13], $0x400  }
0x147: {  	s23 =	sld [smem:$0x7FC]  }
0x148: {  	[sflag:s13] =	ssyncset.done $0x0  }
0x149: {  	[sflag:s13] =	ssyncadd.s32 $0xFFFFFC00  }
0x14a: {  	[tilespmem:s28], [sflag:$0x4] =	stream.linear.gather [hbm4b:s23+s2], $0x400, $0x38;
	[tilespmem:$0x1FC00] =	vst v63  }
0x14b: {  	_ =	swait.ge [sflag:s14], $0x400  }
0x14c: {  	[sflag:s14] =	ssyncset.done $0x0  }
0x14d: {  	[sflag:s14] =	ssyncadd.s32 $0xFFFFFC00  }
0x14e: {  	[spmem:s1] =	stream.indirect.scatter.add.f32 [tilespmem:s24], [sflag:$0xD], $0x1, s30, s26, $0xb8;
	[tilespmem:$0x1FC00] =	vst v63  }
0x14f: {  	_ =	swait.ge [sflag:s15], $0x400  }
0x150: {  	s22 =	sld [smem:$0x7FD]  }
0x151: {  	[sflag:s15] =	ssyncset.done $0x0  }
0x152: {  	[sflag:s15] =	ssyncadd.s32 $0xFFFFFC00  }
0x153: {  	[tilespmem:s29], [sflag:$0x5] =	stream.linear.gather [hbm4b:s22+s2], $0x400, $0x38;
	[tilespmem:$0x1FC00] =	vst v63  }
0x154: {  	_ =	swait.ge [sflag:s16], $0x400  }
0x155: {  	[sflag:s16] =	ssyncset.done $0x0  }
0x156: {  	[sflag:s16] =	ssyncadd.s32 $0xFFFFFC00  }
0x157: {  	[spmem:s1] =	stream.indirect.scatter.add.f32 [tilespmem:s24], [sflag:$0xE], $0x1, s0, s26, $0xb8;
	[tilespmem:$0x1FC00] =	vst v63  }
0x158: {  	_ =	swait.ge [sflag:s18], $0x400  }
0x159: {  	[sflag:s18] =	ssyncset.done $0x0  }
0x15a: {  	[sflag:s18] =	ssyncadd.s32 $0xFFFFFC00  }
0x15b: {  	[spmem:s1] =	stream.indirect.scatter.add.f32 [tilespmem:s24], [sflag:$0xF], $0x1, s7, s26, $0xb8;
	[tilespmem:$0x1FC00] =	vst v63  }
0x15c: {  	_ =	swait.ge [sflag:s6], $0x400  }
0x15d: {  	[sflag:s6] =	ssyncset.done $0x0  }
0x15e: {  	[sflag:s6] =	ssyncadd.s32 $0xFFFFFC00  }
0x15f: {  	[spmem:s1] =	stream.indirect.scatter.add.f32 [tilespmem:s24], [sflag:$0x9], $0x1, s2, s26, $0xb8;
	[tilespmem:$0x1FC00] =	vst v63  }
0x160: {  	_ =	swait.ge [sflag:s3], $0x400  }
0x161: {  	[sflag:s3] =	ssyncset.done $0x0  }
0x162: {  	[sflag:s3] =	ssyncadd.s32 $0xFFFFFC00  }
0x163: {  	[spmem:s1] =	stream.indirect.scatter.add.f32 [tilespmem:s24], [sflag:$0xA], $0x1, s26, s26, $0xb8;
	[tilespmem:$0x1FC00] =	vst v63  }
0x164: {  	_ =	swait.ge [sflag:s11], $0x400  }
0x165: {  	[sflag:s11] =	ssyncset.done $0x0  }
0x166: {  	[sflag:s11] =	ssyncadd.s32 $0xFFFFFC00  }
0x167: {  	[spmem:s1] =	stream.indirect.scatter.add.f32 [tilespmem:s24], [sflag:$0xB], $0x1, s28, s26, $0xb8;
	[tilespmem:$0x1FC00] =	vst v63  }
0x168: {  	_ =	swait.ge [sflag:s10], $0x400  }
0x169: {  	[sflag:s10] =	ssyncset.done $0x0  }
0x16a: {  	[sflag:s10] =	ssyncadd.s32 $0xFFFFFC00  }
0x16b: {  	[spmem:s1] =	stream.indirect.scatter.add.f32 [tilespmem:s24], [sflag:$0xC], $0x1, s29, s26, $0xb8;
	[tilespmem:$0x1FC00] =	vst v63  }
0x16c: {  	_ =	swait.ge [sflag:s5], $0x400  }
0x16d: {  	[sflag:s5] =	ssyncset.done $0x0  }
0x16e: {  	[sflag:s5] =	ssyncadd.s32 $0xFFFFFC00  }
0x16f: {  	_ =	swait.ge [sflag:s12], $0x400  }
0x170: {  	[sflag:s12] =	ssyncset.done $0x0  }
0x171: {  	[sflag:s12] =	ssyncadd.s32 $0xFFFFFC00  }
0x172: {  	_ =	swait.ge [sflag:s13], $0x400  }
0x173: {  	[sflag:s13] =	ssyncset.done $0x0  }
0x174: {  	[sflag:s13] =	ssyncadd.s32 $0xFFFFFC00  }
0x175: {  	_ =	swait.ge [sflag:s15], $0x400  }
0x176: {  	[sflag:s15] =	ssyncset.done $0x0  }
0x177: {  	[sflag:s15] =	ssyncadd.s32 $0xFFFFFC00  }
0x178: {  	_ =	swait.ge [sflag:s4], $0x400  }
0x179: {  	[sflag:s4] =	ssyncset.done $0x0  }
0x17a: {  	[sflag:s4] =	ssyncadd.s32 $0xFFFFFC00  }
0x17b: {  	_ =	swait.ge [sflag:s19], $0x400  }
0x17c: {  	[sflag:s19] =	ssyncset.done $0x0  }
0x17d: {  	[sflag:s19] =	ssyncadd.s32 $0xFFFFFC00  }
0x17e: {  	_ =	swait.ge [sflag:s20], $0x400  }
0x17f: {  	[sflag:s20] =	ssyncset.done $0x0  }
0x180: {  	[sflag:s20] =	ssyncadd.s32 $0xFFFFFC00  }
.Ltmp2:
0x181: {  	[bflag:$0x0] =	sbarrier.arrive $0xFFFF;
	(pc) =	sbr.rel @!p0 .LBB2_2-.Ltmp2, $3  }
0x182: {  	s17 =	sld [smem:$0x7DD];
	_ =	sdelay $0x1  }
0x183: {  	s23 =	rddreg [dreg:$0x9]  }
0x184: {  	s23 =	sshrl.u32 s23, $0x3;
	s22 =	sor.u32 $0x1C10, s17  }
0x185: {  	s22 =	sor.u32 $0x1C10, s17;
	s17 =	rddreg [dreg:$0x10]  }
0x186: {  	[hbm:s17@s21], [sflag:s22] =	dma.strided [spmem:s23@s25], $0x800, s9, $0x10   }
0x187: {  	_ =	swait.ge [sflag:s25], $0x800  }
0x188: {  	[sflag:s25] =	ssyncset.done $0x0;
	s23 =	rddreg [dreg:$0xa]  }
0x189: {  	s17 =	rddreg [dreg:$0x12];
	[sflag:s25] =	ssyncadd.s32 $0xFFFFF800;
	s23 =	sshrl.u32 s23, $0x3  }
0x18a: {  	[hbm:s17@s21], [sflag:s22] =	dma.strided [spmem:s23@s25], $0x800, s9, $0x10   }
0x18b: {  	_ =	swait.ge [sflag:s25], $0x800  }
0x18c: {  	[sflag:s25] =	ssyncset.done $0x0;
	s23 =	rddreg [dreg:$0xb]  }
0x18d: {  	s17 =	rddreg [dreg:$0x14];
	[sflag:s25] =	ssyncadd.s32 $0xFFFFF800;
	s23 =	sshrl.u32 s23, $0x3  }
0x18e: {  	[hbm:s17@s21], [sflag:s22] =	dma.strided [spmem:s23@s25], $0x800, s9, $0x10   }
0x18f: {  	_ =	swait.ge [sflag:s25], $0x800  }
0x190: {  	[sflag:s25] =	ssyncset.done $0x0;
	s23 =	rddreg [dreg:$0xc]  }
0x191: {  	s17 =	rddreg [dreg:$0x16];
	[sflag:s25] =	ssyncadd.s32 $0xFFFFF800;
	s23 =	sshrl.u32 s23, $0x3  }
0x192: {  	[hbm:s17@s21], [sflag:s22] =	dma.strided [spmem:s23@s25], $0x800, s9, $0x10   }
0x193: {  	_ =	swait.ge [sflag:s25], $0x800  }
0x194: {  	[sflag:s25] =	ssyncset.done $0x0;
	s23 =	rddreg [dreg:$0xd]  }
0x195: {  	s17 =	rddreg [dreg:$0x18];
	[sflag:s25] =	ssyncadd.s32 $0xFFFFF800;
	s23 =	sshrl.u32 s23, $0x3  }
0x196: {  	[hbm:s17@s21], [sflag:s22] =	dma.strided [spmem:s23@s25], $0x800, s9, $0x10   }
0x197: {  	_ =	swait.ge [sflag:s25], $0x800  }
0x198: {  	[sflag:s25] =	ssyncset.done $0x0;
	s23 =	rddreg [dreg:$0xe]  }
0x199: {  	s17 =	rddreg [dreg:$0x1a];
	[sflag:s25] =	ssyncadd.s32 $0xFFFFF800;
	s23 =	sshrl.u32 s23, $0x3  }
0x19a: {  	[hbm:s17@s21], [sflag:s22] =	dma.strided [spmem:s23@s25], $0x800, s9, $0x10   }
0x19b: {  	_ =	swait.ge [sflag:s25], $0x800  }
0x19c: {  	[sflag:s25] =	ssyncset.done $0x0;
	s23 =	rddreg [dreg:$0xf]  }
0x19d: {  	s17 =	rddreg [dreg:$0x1c];
	[sflag:s25] =	ssyncadd.s32 $0xFFFFF800;
	s23 =	sshrl.u32 s23, $0x3  }
0x19e: {  	[hbm:s17@s21], [sflag:s22] =	dma.strided [spmem:s23@s25], $0x800, s9, $0x10   }
.Ltmp3:
0x19f: {  	_ = 	snop;
	(pc) =	sbr.rel @p1 .LBB2_5-.Ltmp3, $4  }
.Ltmp4:
0x1a0: {  	_ = 	snop;
	(pc) =	sbr.rel @!p1 .LBB2_4-.Ltmp4, $4  }
0x1a1: {  	_ =	swait.ge [sflag:s25], $0x800  }
0x1a2: {  	[sflag:s25] =	ssyncset.done $0x0  }
0x1a3: {  	s23 =	rddreg [dreg:$0x7];
	[sflag:s25] =	ssyncadd.s32 $0xFFFFF800  }
0x1a4: {  	_ = 	snop  }
.LBB2_2:
0x1a5: {  	s17 =	rddreg [dreg:$0x8]  }
0x1a6: {  	[hbm:s17@s21], [sflag:s22] =	dma.strided [spmem:s23@s25], $0x800, s9, $0x10   }
0x1a7: {  	_ =	swait.ge [sflag:s25], $0x800  }
0x1a8: {  	[sflag:s25] =	ssyncset.done $0x0;
	s23 =	rddreg [dreg:$0xa]  }
0x1a9: {  	s17 =	rddreg [dreg:$0x11];
	[sflag:s25] =	ssyncadd.s32 $0xFFFFF800;
	s23 =	sshrl.u32 s23, $0x3  }
0x1aa: {  	[hbm:s17@s21], [sflag:s22] =	dma.strided [spmem:s23@s25], $0x800, s9, $0x10   }
0x1ab: {  	_ =	swait.ge [sflag:s25], $0x800  }
0x1ac: {  	[sflag:s25] =	ssyncset.done $0x0;
	s23 =	rddreg [dreg:$0xb]  }
0x1ad: {  	s17 =	rddreg [dreg:$0x13];
	[sflag:s25] =	ssyncadd.s32 $0xFFFFF800;
	s23 =	sshrl.u32 s23, $0x3  }
0x1ae: {  	[hbm:s17@s21], [sflag:s22] =	dma.strided [spmem:s23@s25], $0x800, s9, $0x10   }
0x1af: {  	_ =	swait.ge [sflag:s25], $0x800  }
0x1b0: {  	[sflag:s25] =	ssyncset.done $0x0;
	s23 =	rddreg [dreg:$0xc]  }
0x1b1: {  	s17 =	rddreg [dreg:$0x15];
	[sflag:s25] =	ssyncadd.s32 $0xFFFFF800;
	s23 =	sshrl.u32 s23, $0x3  }
0x1b2: {  	[hbm:s17@s21], [sflag:s22] =	dma.strided [spmem:s23@s25], $0x800, s9, $0x10   }
0x1b3: {  	_ =	swait.ge [sflag:s25], $0x800  }
0x1b4: {  	[sflag:s25] =	ssyncset.done $0x0;
	s23 =	rddreg [dreg:$0xd]  }
0x1b5: {  	s17 =	rddreg [dreg:$0x17];
	[sflag:s25] =	ssyncadd.s32 $0xFFFFF800;
	s23 =	sshrl.u32 s23, $0x3  }
0x1b6: {  	[hbm:s17@s21], [sflag:s22] =	dma.strided [spmem:s23@s25], $0x800, s9, $0x10   }
0x1b7: {  	_ =	swait.ge [sflag:s25], $0x800  }
0x1b8: {  	[sflag:s25] =	ssyncset.done $0x0;
	s23 =	rddreg [dreg:$0xe]  }
0x1b9: {  	s17 =	rddreg [dreg:$0x19];
	[sflag:s25] =	ssyncadd.s32 $0xFFFFF800;
	s23 =	sshrl.u32 s23, $0x3  }
0x1ba: {  	[hbm:s17@s21], [sflag:s22] =	dma.strided [spmem:s23@s25], $0x800, s9, $0x10   }
0x1bb: {  	_ =	swait.ge [sflag:s25], $0x800  }
0x1bc: {  	[sflag:s25] =	ssyncset.done $0x0;
	s23 =	rddreg [dreg:$0xf]  }
0x1bd: {  	s17 =	rddreg [dreg:$0x1b];
	[sflag:s25] =	ssyncadd.s32 $0xFFFFF800;
	s23 =	sshrl.u32 s23, $0x3  }
0x1be: {  	[hbm:s17@s21], [sflag:s22] =	dma.strided [spmem:s23@s25], $0x800, s9, $0x10   }
.Ltmp5:
0x1bf: {  	_ = 	snop;
	(pc) =	sbr.rel @p2 .LBB2_4-.Ltmp5, $4  }
.Ltmp6:
0x1c0: {  	_ = 	snop;
	(pc) =	sbr.rel @!p2 .LBB2_5-.Ltmp6, $4  }
0x1c1: {  	_ =	swait.ge [sflag:s25], $0x800  }
0x1c2: {  	[sflag:s25] =	ssyncset.done $0x0  }
0x1c3: {  	s23 =	rddreg [dreg:$0x6];
	[sflag:s25] =	ssyncadd.s32 $0xFFFFF800  }
0x1c4: {  	_ = 	snop  }
.LBB2_6:
0x1c5: {  	_ =	sfence.sel $0x180000  }
0x1c6: {  	[bflag:$0x0] =	sbarrier.arrive $0xFFFF  }
0x1c7: {  	_ =	strace $0x90000047  }
0x1c8: {  	s0 =	stileid.u32;
	[bflag:$0x2] =	sbarrier.arrive $0xFFFF  }
0x1c9: {  	p0 =	sne.s32 s0, $0x0;
	s0 =	rddreg [dreg:$0x3]  }
0x1ca: {  	s0 =	sadd.s32 @!p0 $0x100000, s0  }
0x1cb: {  	[sflag:s0] =	ssyncadd.tile.s32 @!p0 $0x1;
	_ =	shalt  }
.Lfunc_end2:
_tile_overlayer_lowered:
.L_overlay_start_2:
0x1cc: {  	(tag) =	ssettag $0x2  }
0x1cd: {  	s0 =	rddreg [dreg:$0x0];
	s2 =	stileid.u32  }
0x1ce: {  	s1 =	rddreg [dreg:$0x1];
	p0 =	sne.s32 s2, $0x0  }
0x1cf: {  	s3 =	rddreg [dreg:$0x2];
	[bflag:$0x3] =	sbarrier.arrive $0xFFFF;
	s2 =	simm.s32 @!p0 $0x1C10  }
0x1d0: {  	[timem:s3], [sflag:s2] =	dma.local @!p0 [hbm:s0], s1  }
0x1d1: {  	s0 =	simm.s32 @!p0 $0x10  }
0x1d2: {  	_ =	swait.ge @!p0 [sflag:s0], s1  }
0x1d3: {  	s1 =	ssub.s32 @!p0 $0x0, s1;
	[sflag:s0] =	ssyncset.done @!p0 $0x0  }
0x1d4: {  	[sflag:s0] =	ssyncadd.s32 @!p0 s1  }
0x1d5: {  	[bflag:$0x3] =	sbarrier.arrive $0xFFFF  }
0x1d6: {  	_ =	shalt  }

</sc_bundles>
